<compile_context>
chip_gen: v7x
topology: tpu7x:2x2x1
jax: 0.10.2.dev20260603
libtpu: 0.0.44.dev20260713+nightly
codegen_flags: <defaults>
</compile_context>

<pallas_src>
import functools

import jax
import jax.numpy as jnp
from jax import lax
from jax.experimental import pallas as pl
from jax.experimental.pallas import tpu as pltpu
from jax.experimental.pallas import tpu_sc as plsc

N = 10000
E = 320000
D = 128
HD = D // 2
NC = 2
NS = 16
L = 16
EPS = E // NS
CHUNK = 80
STEPS = EPS // CHUNK
NBUF = 5
GROUPS = STEPS // NBUF
NPAD = 10240
RPS = NPAD // NS


def _seg_sum_call(feats2, srcx, dst4, zrow, zcnt, ones_pat, with_counts):
  mesh = plsc.VectorSubcoreMesh(
      core_axis_name="c", subcore_axis_name="s", num_cores=NC, num_subcores=NS)

  out_type = [jax.ShapeDtypeStruct((NC * NPAD, HD), jnp.float32)]
  scratch = {
      "sidx": pltpu.VMEM((STEPS, CHUNK), jnp.int32),
      "didx": pltpu.VMEM((STEPS, CHUNK), jnp.int32),
      "acc": pltpu.VMEM_SHARED((NPAD, HD), jnp.float32),
  }
  for b in range(NBUF):
    scratch[f"rows{b}"] = pltpu.VMEM((CHUNK, HD), jnp.float32)
    scratch[f"gsem{b}"] = pltpu.SemaphoreType.DMA
    scratch[f"ssem{b}"] = pltpu.SemaphoreType.DMA
    if with_counts:
      scratch[f"csem{b}"] = pltpu.SemaphoreType.DMA
  if with_counts:
    out_type.append(jax.ShapeDtypeStruct((NPAD, L), jnp.float32))
    out_type.append(jax.ShapeDtypeStruct((NPAD, L), jnp.float32))
    scratch.update({
        "ones_v": pltpu.VMEM((CHUNK, L), jnp.float32),
        "cacc": pltpu.VMEM_SHARED((NPAD, L), jnp.float32),
    })

  def body(feats_h, src_h, dst_h, zrow_h, zcnt_h, ones_h, *outs, **sc):
    out_h = outs[0]
    core = lax.axis_index("c")
    sub = lax.axis_index("s")
    row0 = sub * RPS
    sidx, didx = sc["sidx"], sc["didx"]
    rows = [sc[f"rows{b}"] for b in range(NBUF)]
    gsem = [sc[f"gsem{b}"] for b in range(NBUF)]
    ssem = [sc[f"ssem{b}"] for b in range(NBUF)]
    acc = sc["acc"]

    init = [
        pltpu.async_copy(src_h.at[pl.ds((core * NS + sub) * STEPS, STEPS)],
                         sidx, gsem[0]),
        pltpu.async_copy(dst_h.at[pl.ds(sub * STEPS, STEPS)], didx, gsem[1]),
        pltpu.async_copy(zrow_h, acc.at[pl.ds(row0, RPS)], gsem[2]),
    ]
    if with_counts:
      init.append(pltpu.async_copy(ones_h, sc["ones_v"], gsem[3]))
      init.append(
          pltpu.async_copy(zcnt_h, sc["cacc"].at[pl.ds(row0, RPS)], gsem[4]))
    for h in init:
      h.wait()
    plsc.subcore_barrier()

    for b in range(NBUF):
      pltpu.async_copy(feats_h.at[sidx.at[b]], rows[b], gsem[b])

    def group(j, carry):
      k0 = j * NBUF
      handles = []
      for b in range(NBUF):
        k = k0 + b
        pltpu.make_async_copy(feats_h.at[sidx.at[k]], rows[b], gsem[b]).wait()
        handles.append(
            pltpu.async_copy(rows[b], acc.at[didx.at[k]], sem=ssem[b],
                             add=True))
        if with_counts:

          @pl.when(core == lax.rem(k, 2))
          def _():
            pltpu.async_copy(sc["ones_v"], sc["cacc"].at[didx.at[k]],
                             sem=sc[f"csem{b}"], add=True)

      for b in range(NBUF):
        k = k0 + b
        handles[b].wait()
        if with_counts:

          @pl.when(core == lax.rem(k, 2))
          def _():
            pltpu.make_async_copy(
                sc["ones_v"], sc["cacc"].at[didx.at[k]], sc[f"csem{b}"]).wait()

        @pl.when(k + NBUF < STEPS)
        def _():
          pltpu.async_copy(feats_h.at[sidx.at[k + NBUF]], rows[b], gsem[b])

      return carry

    lax.fori_loop(0, GROUPS, group, 0)
    plsc.subcore_barrier()

    pltpu.sync_copy(acc.at[pl.ds(row0, RPS)],
                    out_h.at[pl.ds(core * NPAD + row0, RPS)])
    if with_counts:

      @pl.when(core == 0)
      def _():
        pltpu.sync_copy(sc["cacc"].at[pl.ds(row0, RPS)],
                        outs[1].at[pl.ds(row0, RPS)])

      @pl.when(core == 1)
      def _():
        pltpu.sync_copy(sc["cacc"].at[pl.ds(row0, RPS)],
                        outs[2].at[pl.ds(row0, RPS)])

  fn = pl.kernel(
      body, out_type=out_type, mesh=mesh, scratch_types=scratch,
      compiler_params=pltpu.CompilerParams(use_tc_tiling_on_sc=False))
  return fn(feats2, srcx, dst4, zrow, zcnt, ones_pat)


def _dense_body(layer1, p_l, p_r, c0, c1, xr, wlt, bl, wrt, scale, beta, o):
  cnt = jnp.maximum(c0[:, 0:1] + c1[:, 0:1], 1.0)
  agg_l = p_l[...] / cnt
  agg_r = p_r[...] / cnt
  h = (jnp.dot(agg_l, wlt[0:HD, :], preferred_element_type=jnp.float32)
       + jnp.dot(agg_r, wlt[HD:D, :], preferred_element_type=jnp.float32)
       + bl[...]
       + jnp.dot(xr[...], wrt[...], preferred_element_type=jnp.float32))
  nrm = jnp.sqrt(jnp.sum(h * h, axis=1, keepdims=True))
  h = h / jnp.maximum(nrm, 1e-12)
  if layer1:
    h = h * scale[...] + beta[...]
    h = jnp.maximum(h, 0.0)
  o[...] = h


def _dense_call(layer1, P, C0, C1, xin, wlt, bl, wrt, scale, beta):
  R = 2560
  NB = NPAD // R
  specs = [
      pl.BlockSpec((R, HD), lambda i: (i, 0)),
      pl.BlockSpec((R, HD), lambda i: (i + NB, 0)),
      pl.BlockSpec((R, L), lambda i: (i, 0)),
      pl.BlockSpec((R, L), lambda i: (i, 0)),
      pl.BlockSpec((R, D), lambda i: (i, 0)),
      pl.BlockSpec((D, D), lambda i: (0, 0)),
      pl.BlockSpec((1, D), lambda i: (0, 0)),
      pl.BlockSpec((D, D), lambda i: (0, 0)),
      pl.BlockSpec((1, D), lambda i: (0, 0)),
      pl.BlockSpec((1, D), lambda i: (0, 0)),
  ]
  return pl.pallas_call(
      functools.partial(_dense_body, layer1),
      grid=(NB,),
      in_specs=specs,
      out_specs=pl.BlockSpec((R, D), lambda i: (i, 0)),
      out_shape=jax.ShapeDtypeStruct((N, D), jnp.float32),
  )(P, P, C0, C1, xin, wlt, bl, wrt, scale, beta)


def kernel(x, edge_index, Wl1, bl1, Wr1, bn_gamma, bn_beta, Wl2, bl2, Wr2):
  src = edge_index[0].astype(jnp.int32)
  srcx = jnp.concatenate([2 * src, 2 * src + 1]).reshape(
      NC * NS * STEPS, CHUNK)
  dst4 = edge_index[1].astype(jnp.int32).reshape(NS * STEPS, CHUNK)
  zrow = jnp.zeros((RPS, HD), jnp.float32)
  zcnt = jnp.zeros((RPS, L), jnp.float32)
  ones_pat = jnp.zeros((CHUNK, L), jnp.float32).at[:, 0].set(1.0)

  P1, C0, C1 = _seg_sum_call(x.reshape(2 * N, HD), srcx, dst4, zrow, zcnt,
                             ones_pat, with_counts=True)
  scale1 = (bn_gamma / jnp.sqrt(1.0 + 1e-5)).reshape(1, D)
  h1 = _dense_call(True, P1, C0, C1, x, Wl1.T, bl1.reshape(1, D), Wr1.T,
                   scale1, bn_beta.reshape(1, D))

  (P2,) = _seg_sum_call(h1.reshape(2 * N, HD), srcx, dst4, zrow, zcnt,
                        ones_pat, with_counts=False)
  zb = jnp.zeros((1, D), jnp.float32)
  out = _dense_call(False, P2, C0, C1, h1, Wl2.T, bl2.reshape(1, D), Wr2.T,
                    zb, zb)
  return out

# --- scband reference (transcript-rebuilt; emitter-appended) ---
"""Pipeline reference for scband-region2-vec-3023656976611 (READ-ONLY COPY).

The authoritative reference and input builder live on the scoring server;
editing this copy changes nothing except your own understanding.
"""

import jax, jax.numpy as jnp
import numpy as np

N_NODES = 10000
N_EDGES = 320000
D = 128

def _l2norm(x, eps=1e-12):
    n = jnp.linalg.norm(x, ord=2, axis=-1, keepdims=True)
    return x / jnp.maximum(n, eps)

def _segment_mean(msg, dst, num_segments):
    sums = jax.ops.segment_sum(msg, dst, num_segments=num_segments)
    cnt = jax.ops.segment_sum(jnp.ones((msg.shape[0],), dtype=msg.dtype), dst, num_segments=num_segments)
    cnt = jnp.maximum(cnt, 1.0)
    return sums / cnt[:, None]

def _sage_conv(x, edge_index, Wl, bl, Wr):
    # PyG SAGEConv(aggr='mean', normalize=True): out = lin_l(mean_j x_j) + lin_r(x_i), then L2 normalize
    src = edge_index[0]
    dst = edge_index[1]
    agg = _segment_mean(x[src], dst, x.shape[0])
    out = agg @ Wl.T + bl + x @ Wr.T
    return _l2norm(out)

def setup_inputs(seed: int = 0) -> dict:
    key = jax.random.key(seed)
    ks = jax.random.split(key, 12)
    x = jax.random.normal(ks[0], (N_NODES, D), dtype=jnp.float32)
    edge_index = jax.random.randint(ks[1], (2, N_EDGES), 0, N_NODES, dtype=jnp.int64)
    Wl1 = jax.random.normal(ks[2], (D, D), dtype=jnp.float32) * 0.05
    bl1 = jnp.zeros((D,), dtype=jnp.float32)
    Wr1 = jax.random.normal(ks[3], (D, D), dtype=jnp.float32) * 0.05
    bn_gamma = jnp.ones((D,), dtype=jnp.float32)
    bn_beta = jnp.zeros((D,), dtype=jnp.float32)
    Wl2 = jax.random.normal(ks[4], (D, D), dtype=jnp.float32) * 0.05
    bl2 = jnp.zeros((D,), dtype=jnp.float32)
    Wr2 = jax.random.normal(ks[5], (D, D), dtype=jnp.float32) * 0.05
    return {"x": x, "edge_index": edge_index, "Wl1": Wl1, "bl1": bl1, "Wr1": Wr1,
            "bn_gamma": bn_gamma, "bn_beta": bn_beta, "Wl2": Wl2, "bl2": bl2, "Wr2": Wr2}

def reference(x, edge_index, Wl1, bl1, Wr1, bn_gamma, bn_beta, Wl2, bl2, Wr2):
    # Layer 1: SAGEConv -> BatchNorm1d (eval mode, running stats mean=0, var=1) -> ReLU -> Dropout(eval=identity)
    h = _sage_conv(x, edge_index, Wl1, bl1, Wr1)
    eps = 1e-5
    h = (h - 0.0) / jnp.sqrt(1.0 + eps) * bn_gamma + bn_beta
    h = jax.nn.relu(h)
    # Layer 2: SAGEConv
    h = _sage_conv(h, edge_index, Wl2, bl2, Wr2)
    # Module-level L2 normalize (normalize=True)
    h = _l2norm(h)
    return h

if __name__ == "__main__":
    import jax
    _d = setup_inputs()
    print(jax.jit(kernel)(*tuple(_d.values())))

</pallas_src>

<mosaic_0001>
#map = affine_map<(d0, d1) -> (0, 0)>
module attributes {stable_mosaic.version = 14 : i64} {
  func.func @body(%arg0: i32, %arg1: i32, %arg2: memref<20000x64xf32, #tpu.memory_space<hbm>>, %arg3: memref<8000x80xi32, #tpu.memory_space<hbm>>, %arg4: memref<4000x80xi32, #tpu.memory_space<hbm>>, %arg5: memref<640x64xf32, #tpu.memory_space<hbm>>, %arg6: memref<640x16xf32, #tpu.memory_space<hbm>>, %arg7: memref<80x16xf32, #tpu.memory_space<hbm>>, %arg8: memref<20480x64xf32, #tpu.memory_space<hbm>>, %arg9: memref<10240x64xf32, #tpu.memory_space<vmem_shared>>, %arg10: memref<250x80xi32, #tpu.memory_space<vmem>>, %arg11: memref<!tpu.dma_semaphore, #tpu.memory_space<semaphore_mem>>, %arg12: memref<!tpu.dma_semaphore, #tpu.memory_space<semaphore_mem>>, %arg13: memref<!tpu.dma_semaphore, #tpu.memory_space<semaphore_mem>>, %arg14: memref<!tpu.dma_semaphore, #tpu.memory_space<semaphore_mem>>, %arg15: memref<!tpu.dma_semaphore, #tpu.memory_space<semaphore_mem>>, %arg16: memref<80x64xf32, #tpu.memory_space<vmem>>, %arg17: memref<80x64xf32, #tpu.memory_space<vmem>>, %arg18: memref<80x64xf32, #tpu.memory_space<vmem>>, %arg19: memref<80x64xf32, #tpu.memory_space<vmem>>, %arg20: memref<80x64xf32, #tpu.memory_space<vmem>>, %arg21: memref<250x80xi32, #tpu.memory_space<vmem>>, %arg22: memref<!tpu.dma_semaphore, #tpu.memory_space<semaphore_mem>>, %arg23: memref<!tpu.dma_semaphore, #tpu.memory_space<semaphore_mem>>, %arg24: memref<!tpu.dma_semaphore, #tpu.memory_space<semaphore_mem>>, %arg25: memref<!tpu.dma_semaphore, #tpu.memory_space<semaphore_mem>>, %arg26: memref<!tpu.dma_semaphore, #tpu.memory_space<semaphore_mem>>) attributes {dimension_semantics = [#tpu.dimension_semantics<core_parallel>, #tpu.dimension_semantics<subcore_parallel>], iteration_bounds = array<i64: 2, 16>, scalar_prefetch = 0 : i64, scratch_operands = 18 : i64, tpu.core_type = #tpu.core_type<sc_vector_subcore>, window_params = [{transform_indices = #map}, {transform_indices = #map}, {transform_indices = #map}, {transform_indices = #map}, {transform_indices = #map}, {transform_indices = #map}, {transform_indices = #map}]} {
    %mul3A = arith.constant 640 : i32
    %mul3A_0 = arith.muli %arg1, %mul3A : i32
    %mul3A_1 = arith.constant 16 : i32
    %mul3A_2 = arith.muli %arg0, %mul3A_1 : i32
    %add3A = arith.addi %mul3A_2, %arg1 : i32
    %mul3A_3 = arith.constant 250 : i32
    %mul3A_4 = arith.muli %add3A, %mul3A_3 : i32
    %dma_start3A = arith.constant 0 : i32
    %dma_start3A_5 = tpu.memref_slice %arg3[%mul3A_4, %dma_start3A] : memref<8000x80xi32, #tpu.memory_space<hbm>> -> memref<250x80xi32, #tpu.memory_space<hbm>>
    %dma_start3A_6 = arith.constant 0 : i32
    %dma_start3A_7 = tpu.memref_slice %arg3[%mul3A_4, %dma_start3A_6] : memref<8000x80xi32, #tpu.memory_space<hbm>> -> memref<250x80xi32, #tpu.memory_space<hbm>>
    tpu.enqueue_dma source(%dma_start3A_7 : memref<250x80xi32, #tpu.memory_space<hbm>>) target(%arg21 : memref<250x80xi32, #tpu.memory_space<vmem>>) target_semaphore(%arg11 : memref<!tpu.dma_semaphore, #tpu.memory_space<semaphore_mem>>)
    %mul3A_8 = arith.constant 250 : i32
    %mul3A_9 = arith.muli %arg1, %mul3A_8 : i32
    %dma_start3A_10 = arith.constant 0 : i32
    %dma_start3A_11 = tpu.memref_slice %arg4[%mul3A_9, %dma_start3A_10] : memref<4000x80xi32, #tpu.memory_space<hbm>> -> memref<250x80xi32, #tpu.memory_space<hbm>>
    %dma_start3A_12 = arith.constant 0 : i32
    %dma_start3A_13 = tpu.memref_slice %arg4[%mul3A_9, %dma_start3A_12] : memref<4000x80xi32, #tpu.memory_space<hbm>> -> memref<250x80xi32, #tpu.memory_space<hbm>>
    tpu.enqueue_dma source(%dma_start3A_13 : memref<250x80xi32, #tpu.memory_space<hbm>>) target(%arg10 : memref<250x80xi32, #tpu.memory_space<vmem>>) target_semaphore(%arg12 : memref<!tpu.dma_semaphore, #tpu.memory_space<semaphore_mem>>)
    %dma_start3A_14 = arith.constant 0 : i32
    %dma_start3A_15 = tpu.memref_slice %arg9[%mul3A_0, %dma_start3A_14] : memref<10240x64xf32, #tpu.memory_space<vmem_shared>> -> memref<640x64xf32, #tpu.memory_space<vmem_shared>>
    tpu.enqueue_dma source(%arg5 : memref<640x64xf32, #tpu.memory_space<hbm>>) target(%dma_start3A_15 : memref<640x64xf32, #tpu.memory_space<vmem_shared>>) target_semaphore(%arg13 : memref<!tpu.dma_semaphore, #tpu.memory_space<semaphore_mem>>)
    %dma_wait3A = arith.constant 0 : i32
    %dma_wait3A_16 = tpu.memref_slice %arg3[%mul3A_4, %dma_wait3A] : memref<8000x80xi32, #tpu.memory_space<hbm>> -> memref<250x80xi32, #tpu.memory_space<hbm>>
    %dma_wait3A_17 = arith.constant 0 : i32
    %dma_wait3A_18 = tpu.memref_slice %arg3[%mul3A_4, %dma_wait3A_17] : memref<8000x80xi32, #tpu.memory_space<hbm>> -> memref<250x80xi32, #tpu.memory_space<hbm>>
    tpu.wait_dma2 semaphore(%arg11 : memref<!tpu.dma_semaphore, #tpu.memory_space<semaphore_mem>>) src(%dma_wait3A_18 : memref<250x80xi32, #tpu.memory_space<hbm>>) dst(%arg21 : memref<250x80xi32, #tpu.memory_space<vmem>>)
    %dma_wait3A_19 = arith.constant 0 : i32
    %dma_wait3A_20 = tpu.memref_slice %arg4[%mul3A_9, %dma_wait3A_19] : memref<4000x80xi32, #tpu.memory_space<hbm>> -> memref<250x80xi32, #tpu.memory_space<hbm>>
    %dma_wait3A_21 = arith.constant 0 : i32
    %dma_wait3A_22 = tpu.memref_slice %arg4[%mul3A_9, %dma_wait3A_21] : memref<4000x80xi32, #tpu.memory_space<hbm>> -> memref<250x80xi32, #tpu.memory_space<hbm>>
    tpu.wait_dma2 semaphore(%arg12 : memref<!tpu.dma_semaphore, #tpu.memory_space<semaphore_mem>>) src(%dma_wait3A_22 : memref<250x80xi32, #tpu.memory_space<hbm>>) dst(%arg10 : memref<250x80xi32, #tpu.memory_space<vmem>>)
    %dma_wait3A_23 = arith.constant 0 : i32
    %dma_wait3A_24 = tpu.memref_slice %arg9[%mul3A_0, %dma_wait3A_23] : memref<10240x64xf32, #tpu.memory_space<vmem_shared>> -> memref<640x64xf32, #tpu.memory_space<vmem_shared>>
    tpu.wait_dma2 semaphore(%arg13 : memref<!tpu.dma_semaphore, #tpu.memory_space<semaphore_mem>>) src(%arg5 : memref<640x64xf32, #tpu.memory_space<hbm>>) dst(%dma_wait3A_24 : memref<640x64xf32, #tpu.memory_space<vmem_shared>>)
    %barrier3A = arith.constant 0 : index
    tpu.barrier barrier_id(%barrier3A)
    %dma_start3A_25 = arith.constant 0 : i32
    %dma_start3A_26 = arith.constant 0 : i32
    %dma_start3A_27 = tpu.memref_slice %arg21[%dma_start3A_25, %dma_start3A_26] : memref<250x80xi32, #tpu.memory_space<vmem>> -> memref<1x80xi32, #tpu.memory_space<vmem>>
    %dma_start3A_28 = tpu.memref_squeeze %dma_start3A_27 : memref<1x80xi32, #tpu.memory_space<vmem>> -> memref<80xi32, #tpu.memory_space<vmem>>
    %dma_start3A_29 = arith.constant 0 : i32
    %dma_start3A_30 = arith.constant 0 : i32
    %dma_start3A_31 = tpu.memref_slice %arg2[%dma_start3A_29, %dma_start3A_30] : memref<20000x64xf32, #tpu.memory_space<hbm>> -> memref<20000x64xf32, #tpu.memory_space<hbm>>
    tpu.enqueue_indirect_dma source(%dma_start3A_31 : memref<20000x64xf32, #tpu.memory_space<hbm>>) target(%arg16 : memref<80x64xf32, #tpu.memory_space<vmem>>) offsets(%dma_start3A_28 : memref<80xi32, #tpu.memory_space<vmem>>) semaphore(%arg11 : memref<!tpu.dma_semaphore, #tpu.memory_space<semaphore_mem>>)
    %dma_start3A_32 = arith.constant 1 : i32
    %dma_start3A_33 = arith.constant 0 : i32
    %dma_start3A_34 = tpu.memref_slice %arg21[%dma_start3A_32, %dma_start3A_33] : memref<250x80xi32, #tpu.memory_space<vmem>> -> memref<1x80xi32, #tpu.memory_space<vmem>>
    %dma_start3A_35 = tpu.memref_squeeze %dma_start3A_34 : memref<1x80xi32, #tpu.memory_space<vmem>> -> memref<80xi32, #tpu.memory_space<vmem>>
    %dma_start3A_36 = arith.constant 0 : i32
    %dma_start3A_37 = arith.constant 0 : i32
    %dma_start3A_38 = tpu.memref_slice %arg2[%dma_start3A_36, %dma_start3A_37] : memref<20000x64xf32, #tpu.memory_space<hbm>> -> memref<20000x64xf32, #tpu.memory_space<hbm>>
    tpu.enqueue_indirect_dma source(%dma_start3A_38 : memref<20000x64xf32, #tpu.memory_space<hbm>>) target(%arg17 : memref<80x64xf32, #tpu.memory_space<vmem>>) offsets(%dma_start3A_35 : memref<80xi32, #tpu.memory_space<vmem>>) semaphore(%arg12 : memref<!tpu.dma_semaphore, #tpu.memory_space<semaphore_mem>>)
    %dma_start3A_39 = arith.constant 2 : i32
    %dma_start3A_40 = arith.constant 0 : i32
    %dma_start3A_41 = tpu.memref_slice %arg21[%dma_start3A_39, %dma_start3A_40] : memref<250x80xi32, #tpu.memory_space<vmem>> -> memref<1x80xi32, #tpu.memory_space<vmem>>
    %dma_start3A_42 = tpu.memref_squeeze %dma_start3A_41 : memref<1x80xi32, #tpu.memory_space<vmem>> -> memref<80xi32, #tpu.memory_space<vmem>>
    %dma_start3A_43 = arith.constant 0 : i32
    %dma_start3A_44 = arith.constant 0 : i32
    %dma_start3A_45 = tpu.memref_slice %arg2[%dma_start3A_43, %dma_start3A_44] : memref<20000x64xf32, #tpu.memory_space<hbm>> -> memref<20000x64xf32, #tpu.memory_space<hbm>>
    tpu.enqueue_indirect_dma source(%dma_start3A_45 : memref<20000x64xf32, #tpu.memory_space<hbm>>) target(%arg18 : memref<80x64xf32, #tpu.memory_space<vmem>>) offsets(%dma_start3A_42 : memref<80xi32, #tpu.memory_space<vmem>>) semaphore(%arg13 : memref<!tpu.dma_semaphore, #tpu.memory_space<semaphore_mem>>)
    %dma_start3A_46 = arith.constant 3 : i32
    %dma_start3A_47 = arith.constant 0 : i32
    %dma_start3A_48 = tpu.memref_slice %arg21[%dma_start3A_46, %dma_start3A_47] : memref<250x80xi32, #tpu.memory_space<vmem>> -> memref<1x80xi32, #tpu.memory_space<vmem>>
    %dma_start3A_49 = tpu.memref_squeeze %dma_start3A_48 : memref<1x80xi32, #tpu.memory_space<vmem>> -> memref<80xi32, #tpu.memory_space<vmem>>
    %dma_start3A_50 = arith.constant 0 : i32
    %dma_start3A_51 = arith.constant 0 : i32
    %dma_start3A_52 = tpu.memref_slice %arg2[%dma_start3A_50, %dma_start3A_51] : memref<20000x64xf32, #tpu.memory_space<hbm>> -> memref<20000x64xf32, #tpu.memory_space<hbm>>
    tpu.enqueue_indirect_dma source(%dma_start3A_52 : memref<20000x64xf32, #tpu.memory_space<hbm>>) target(%arg19 : memref<80x64xf32, #tpu.memory_space<vmem>>) offsets(%dma_start3A_49 : memref<80xi32, #tpu.memory_space<vmem>>) semaphore(%arg14 : memref<!tpu.dma_semaphore, #tpu.memory_space<semaphore_mem>>)
    %dma_start3A_53 = arith.constant 4 : i32
    %dma_start3A_54 = arith.constant 0 : i32
    %dma_start3A_55 = tpu.memref_slice %arg21[%dma_start3A_53, %dma_start3A_54] : memref<250x80xi32, #tpu.memory_space<vmem>> -> memref<1x80xi32, #tpu.memory_space<vmem>>
    %dma_start3A_56 = tpu.memref_squeeze %dma_start3A_55 : memref<1x80xi32, #tpu.memory_space<vmem>> -> memref<80xi32, #tpu.memory_space<vmem>>
    %dma_start3A_57 = arith.constant 0 : i32
    %dma_start3A_58 = arith.constant 0 : i32
    %dma_start3A_59 = tpu.memref_slice %arg2[%dma_start3A_57, %dma_start3A_58] : memref<20000x64xf32, #tpu.memory_space<hbm>> -> memref<20000x64xf32, #tpu.memory_space<hbm>>
    tpu.enqueue_indirect_dma source(%dma_start3A_59 : memref<20000x64xf32, #tpu.memory_space<hbm>>) target(%arg20 : memref<80x64xf32, #tpu.memory_space<vmem>>) offsets(%dma_start3A_56 : memref<80xi32, #tpu.memory_space<vmem>>) semaphore(%arg15 : memref<!tpu.dma_semaphore, #tpu.memory_space<semaphore_mem>>)
    %scan3A = arith.constant 0 : i32
    %scan3A_60 = arith.constant 0 : i32
    %scan3A_61 = arith.constant 50 : i32
    %scan3A_62 = arith.addi %scan3A_60, %scan3A_61 : i32
    %scan3A_63 = arith.constant 1 : i32
    scf.for %scan3A_69 = %scan3A_60 to %scan3A_62 step %scan3A_63  : i32 {
      %mul3A_70 = arith.constant 5 : i32
      %mul3A_71 = arith.muli %scan3A_69, %mul3A_70 : i32
      %add3A_72 = arith.constant 0 : i32
      %add3A_73 = arith.addi %mul3A_71, %add3A_72 : i32
      %dma_wait3A_74 = arith.constant 0 : i32
      %dma_wait3A_75 = tpu.memref_slice %arg21[%add3A_73, %dma_wait3A_74] : memref<250x80xi32, #tpu.memory_space<vmem>> -> memref<1x80xi32, #tpu.memory_space<vmem>>
      %dma_wait3A_76 = tpu.memref_squeeze %dma_wait3A_75 : memref<1x80xi32, #tpu.memory_space<vmem>> -> memref<80xi32, #tpu.memory_space<vmem>>
      %dma_wait3A_77 = arith.constant 0 : i32
      %dma_wait3A_78 = arith.constant 0 : i32
      %dma_wait3A_79 = tpu.memref_slice %arg2[%dma_wait3A_77, %dma_wait3A_78] : memref<20000x64xf32, #tpu.memory_space<hbm>> -> memref<20000x64xf32, #tpu.memory_space<hbm>>
      tpu.wait_indirect_dma semaphore(%arg11 : memref<!tpu.dma_semaphore, #tpu.memory_space<semaphore_mem>>) src(%dma_wait3A_79 : memref<20000x64xf32, #tpu.memory_space<hbm>>) dst(%arg16 : memref<80x64xf32, #tpu.memory_space<vmem>>)
      %dma_start3A_80 = arith.constant 0 : i32
      %dma_start3A_81 = tpu.memref_slice %arg10[%add3A_73, %dma_start3A_80] : memref<250x80xi32, #tpu.memory_space<vmem>> -> memref<1x80xi32, #tpu.memory_space<vmem>>
      %dma_start3A_82 = tpu.memref_squeeze %dma_start3A_81 : memref<1x80xi32, #tpu.memory_space<vmem>> -> memref<80xi32, #tpu.memory_space<vmem>>
      %dma_start3A_83 = arith.constant 0 : i32
      %dma_start3A_84 = arith.constant 0 : i32
      %dma_start3A_85 = tpu.memref_slice %arg9[%dma_start3A_83, %dma_start3A_84] : memref<10240x64xf32, #tpu.memory_space<vmem_shared>> -> memref<10240x64xf32, #tpu.memory_space<vmem_shared>>
      tpu.enqueue_indirect_dma source(%arg16 : memref<80x64xf32, #tpu.memory_space<vmem>>) target(%dma_start3A_85 : memref<10240x64xf32, #tpu.memory_space<vmem_shared>>) offsets(%dma_start3A_82 : memref<80xi32, #tpu.memory_space<vmem>>) semaphore(%arg22 : memref<!tpu.dma_semaphore, #tpu.memory_space<semaphore_mem>>) {add = true}
      %add3A_86 = arith.constant 1 : i32
      %add3A_87 = arith.addi %mul3A_71, %add3A_86 : i32
      %dma_wait3A_88 = arith.constant 0 : i32
      %dma_wait3A_89 = tpu.memref_slice %arg21[%add3A_87, %dma_wait3A_88] : memref<250x80xi32, #tpu.memory_space<vmem>> -> memref<1x80xi32, #tpu.memory_space<vmem>>
      %dma_wait3A_90 = tpu.memref_squeeze %dma_wait3A_89 : memref<1x80xi32, #tpu.memory_space<vmem>> -> memref<80xi32, #tpu.memory_space<vmem>>
      %dma_wait3A_91 = arith.constant 0 : i32
      %dma_wait3A_92 = arith.constant 0 : i32
      %dma_wait3A_93 = tpu.memref_slice %arg2[%dma_wait3A_91, %dma_wait3A_92] : memref<20000x64xf32, #tpu.memory_space<hbm>> -> memref<20000x64xf32, #tpu.memory_space<hbm>>
      tpu.wait_indirect_dma semaphore(%arg12 : memref<!tpu.dma_semaphore, #tpu.memory_space<semaphore_mem>>) src(%dma_wait3A_93 : memref<20000x64xf32, #tpu.memory_space<hbm>>) dst(%arg17 : memref<80x64xf32, #tpu.memory_space<vmem>>)
      %dma_start3A_94 = arith.constant 0 : i32
      %dma_start3A_95 = tpu.memref_slice %arg10[%add3A_87, %dma_start3A_94] : memref<250x80xi32, #tpu.memory_space<vmem>> -> memref<1x80xi32, #tpu.memory_space<vmem>>
      %dma_start3A_96 = tpu.memref_squeeze %dma_start3A_95 : memref<1x80xi32, #tpu.memory_space<vmem>> -> memref<80xi32, #tpu.memory_space<vmem>>
      %dma_start3A_97 = arith.constant 0 : i32
      %dma_start3A_98 = arith.constant 0 : i32
      %dma_start3A_99 = tpu.memref_slice %arg9[%dma_start3A_97, %dma_start3A_98] : memref<10240x64xf32, #tpu.memory_space<vmem_shared>> -> memref<10240x64xf32, #tpu.memory_space<vmem_shared>>
      tpu.enqueue_indirect_dma source(%arg17 : memref<80x64xf32, #tpu.memory_space<vmem>>) target(%dma_start3A_99 : memref<10240x64xf32, #tpu.memory_space<vmem_shared>>) offsets(%dma_start3A_96 : memref<80xi32, #tpu.memory_space<vmem>>) semaphore(%arg23 : memref<!tpu.dma_semaphore, #tpu.memory_space<semaphore_mem>>) {add = true}
      %add3A_100 = arith.constant 2 : i32
      %add3A_101 = arith.addi %mul3A_71, %add3A_100 : i32
      %dma_wait3A_102 = arith.constant 0 : i32
      %dma_wait3A_103 = tpu.memref_slice %arg21[%add3A_101, %dma_wait3A_102] : memref<250x80xi32, #tpu.memory_space<vmem>> -> memref<1x80xi32, #tpu.memory_space<vmem>>
      %dma_wait3A_104 = tpu.memref_squeeze %dma_wait3A_103 : memref<1x80xi32, #tpu.memory_space<vmem>> -> memref<80xi32, #tpu.memory_space<vmem>>
      %dma_wait3A_105 = arith.constant 0 : i32
      %dma_wait3A_106 = arith.constant 0 : i32
      %dma_wait3A_107 = tpu.memref_slice %arg2[%dma_wait3A_105, %dma_wait3A_106] : memref<20000x64xf32, #tpu.memory_space<hbm>> -> memref<20000x64xf32, #tpu.memory_space<hbm>>
      tpu.wait_indirect_dma semaphore(%arg13 : memref<!tpu.dma_semaphore, #tpu.memory_space<semaphore_mem>>) src(%dma_wait3A_107 : memref<20000x64xf32, #tpu.memory_space<hbm>>) dst(%arg18 : memref<80x64xf32, #tpu.memory_space<vmem>>)
      %dma_start3A_108 = arith.constant 0 : i32
      %dma_start3A_109 = tpu.memref_slice %arg10[%add3A_101, %dma_start3A_108] : memref<250x80xi32, #tpu.memory_space<vmem>> -> memref<1x80xi32, #tpu.memory_space<vmem>>
      %dma_start3A_110 = tpu.memref_squeeze %dma_start3A_109 : memref<1x80xi32, #tpu.memory_space<vmem>> -> memref<80xi32, #tpu.memory_space<vmem>>
      %dma_start3A_111 = arith.constant 0 : i32
      %dma_start3A_112 = arith.constant 0 : i32
      %dma_start3A_113 = tpu.memref_slice %arg9[%dma_start3A_111, %dma_start3A_112] : memref<10240x64xf32, #tpu.memory_space<vmem_shared>> -> memref<10240x64xf32, #tpu.memory_space<vmem_shared>>
      tpu.enqueue_indirect_dma source(%arg18 : memref<80x64xf32, #tpu.memory_space<vmem>>) target(%dma_start3A_113 : memref<10240x64xf32, #tpu.memory_space<vmem_shared>>) offsets(%dma_start3A_110 : memref<80xi32, #tpu.memory_space<vmem>>) semaphore(%arg24 : memref<!tpu.dma_semaphore, #tpu.memory_space<semaphore_mem>>) {add = true}
      %add3A_114 = arith.constant 3 : i32
      %add3A_115 = arith.addi %mul3A_71, %add3A_114 : i32
      %dma_wait3A_116 = arith.constant 0 : i32
      %dma_wait3A_117 = tpu.memref_slice %arg21[%add3A_115, %dma_wait3A_116] : memref<250x80xi32, #tpu.memory_space<vmem>> -> memref<1x80xi32, #tpu.memory_space<vmem>>
      %dma_wait3A_118 = tpu.memref_squeeze %dma_wait3A_117 : memref<1x80xi32, #tpu.memory_space<vmem>> -> memref<80xi32, #tpu.memory_space<vmem>>
      %dma_wait3A_119 = arith.constant 0 : i32
      %dma_wait3A_120 = arith.constant 0 : i32
      %dma_wait3A_121 = tpu.memref_slice %arg2[%dma_wait3A_119, %dma_wait3A_120] : memref<20000x64xf32, #tpu.memory_space<hbm>> -> memref<20000x64xf32, #tpu.memory_space<hbm>>
      tpu.wait_indirect_dma semaphore(%arg14 : memref<!tpu.dma_semaphore, #tpu.memory_space<semaphore_mem>>) src(%dma_wait3A_121 : memref<20000x64xf32, #tpu.memory_space<hbm>>) dst(%arg19 : memref<80x64xf32, #tpu.memory_space<vmem>>)
      %dma_start3A_122 = arith.constant 0 : i32
      %dma_start3A_123 = tpu.memref_slice %arg10[%add3A_115, %dma_start3A_122] : memref<250x80xi32, #tpu.memory_space<vmem>> -> memref<1x80xi32, #tpu.memory_space<vmem>>
      %dma_start3A_124 = tpu.memref_squeeze %dma_start3A_123 : memref<1x80xi32, #tpu.memory_space<vmem>> -> memref<80xi32, #tpu.memory_space<vmem>>
      %dma_start3A_125 = arith.constant 0 : i32
      %dma_start3A_126 = arith.constant 0 : i32
      %dma_start3A_127 = tpu.memref_slice %arg9[%dma_start3A_125, %dma_start3A_126] : memref<10240x64xf32, #tpu.memory_space<vmem_shared>> -> memref<10240x64xf32, #tpu.memory_space<vmem_shared>>
      tpu.enqueue_indirect_dma source(%arg19 : memref<80x64xf32, #tpu.memory_space<vmem>>) target(%dma_start3A_127 : memref<10240x64xf32, #tpu.memory_space<vmem_shared>>) offsets(%dma_start3A_124 : memref<80xi32, #tpu.memory_space<vmem>>) semaphore(%arg25 : memref<!tpu.dma_semaphore, #tpu.memory_space<semaphore_mem>>) {add = true}
      %add3A_128 = arith.constant 4 : i32
      %add3A_129 = arith.addi %mul3A_71, %add3A_128 : i32
      %dma_wait3A_130 = arith.constant 0 : i32
      %dma_wait3A_131 = tpu.memref_slice %arg21[%add3A_129, %dma_wait3A_130] : memref<250x80xi32, #tpu.memory_space<vmem>> -> memref<1x80xi32, #tpu.memory_space<vmem>>
      %dma_wait3A_132 = tpu.memref_squeeze %dma_wait3A_131 : memref<1x80xi32, #tpu.memory_space<vmem>> -> memref<80xi32, #tpu.memory_space<vmem>>
      %dma_wait3A_133 = arith.constant 0 : i32
      %dma_wait3A_134 = arith.constant 0 : i32
      %dma_wait3A_135 = tpu.memref_slice %arg2[%dma_wait3A_133, %dma_wait3A_134] : memref<20000x64xf32, #tpu.memory_space<hbm>> -> memref<20000x64xf32, #tpu.memory_space<hbm>>
      tpu.wait_indirect_dma semaphore(%arg15 : memref<!tpu.dma_semaphore, #tpu.memory_space<semaphore_mem>>) src(%dma_wait3A_135 : memref<20000x64xf32, #tpu.memory_space<hbm>>) dst(%arg20 : memref<80x64xf32, #tpu.memory_space<vmem>>)
      %dma_start3A_136 = arith.constant 0 : i32
      %dma_start3A_137 = tpu.memref_slice %arg10[%add3A_129, %dma_start3A_136] : memref<250x80xi32, #tpu.memory_space<vmem>> -> memref<1x80xi32, #tpu.memory_space<vmem>>
      %dma_start3A_138 = tpu.memref_squeeze %dma_start3A_137 : memref<1x80xi32, #tpu.memory_space<vmem>> -> memref<80xi32, #tpu.memory_space<vmem>>
      %dma_start3A_139 = arith.constant 0 : i32
      %dma_start3A_140 = arith.constant 0 : i32
      %dma_start3A_141 = tpu.memref_slice %arg9[%dma_start3A_139, %dma_start3A_140] : memref<10240x64xf32, #tpu.memory_space<vmem_shared>> -> memref<10240x64xf32, #tpu.memory_space<vmem_shared>>
      tpu.enqueue_indirect_dma source(%arg20 : memref<80x64xf32, #tpu.memory_space<vmem>>) target(%dma_start3A_141 : memref<10240x64xf32, #tpu.memory_space<vmem_shared>>) offsets(%dma_start3A_138 : memref<80xi32, #tpu.memory_space<vmem>>) semaphore(%arg26 : memref<!tpu.dma_semaphore, #tpu.memory_space<semaphore_mem>>) {add = true}
      %add3A_142 = arith.constant 0 : i32
      %add3A_143 = arith.addi %mul3A_71, %add3A_142 : i32
      %dma_wait3A_144 = arith.constant 0 : i32
      %dma_wait3A_145 = tpu.memref_slice %arg10[%add3A_73, %dma_wait3A_144] : memref<250x80xi32, #tpu.memory_space<vmem>> -> memref<1x80xi32, #tpu.memory_space<vmem>>
      %dma_wait3A_146 = tpu.memref_squeeze %dma_wait3A_145 : memref<1x80xi32, #tpu.memory_space<vmem>> -> memref<80xi32, #tpu.memory_space<vmem>>
      %dma_wait3A_147 = arith.constant 0 : i32
      %dma_wait3A_148 = arith.constant 0 : i32
      %dma_wait3A_149 = tpu.memref_slice %arg9[%dma_wait3A_147, %dma_wait3A_148] : memref<10240x64xf32, #tpu.memory_space<vmem_shared>> -> memref<10240x64xf32, #tpu.memory_space<vmem_shared>>
      tpu.wait_indirect_dma semaphore(%arg22 : memref<!tpu.dma_semaphore, #tpu.memory_space<semaphore_mem>>) src(%arg16 : memref<80x64xf32, #tpu.memory_space<vmem>>) dst(%dma_wait3A_149 : memref<10240x64xf32, #tpu.memory_space<vmem_shared>>)
      %add3A_150 = arith.constant 5 : i32
      %add3A_151 = arith.addi %add3A_143, %add3A_150 : i32
      %lt3A = arith.constant 250 : i32
      %lt3A_152 = arith.cmpi slt, %add3A_151, %lt3A : i32
      %convert_element_type3A = arith.extui %lt3A_152 : i1 to i32
      %cond3A = arith.constant 0 : i32
      %cond3A_153 = arith.cmpi ne, %convert_element_type3A, %cond3A : i32
      scf.if %cond3A_153 {
        %add3A_214 = arith.constant 5 : i32
        %add3A_215 = arith.addi %add3A_143, %add3A_214 : i32
        %dma_start3A_216 = arith.constant 0 : i32
        %dma_start3A_217 = tpu.memref_slice %arg21[%add3A_215, %dma_start3A_216] : memref<250x80xi32, #tpu.memory_space<vmem>> -> memref<1x80xi32, #tpu.memory_space<vmem>>
        %dma_start3A_218 = tpu.memref_squeeze %dma_start3A_217 : memref<1x80xi32, #tpu.memory_space<vmem>> -> memref<80xi32, #tpu.memory_space<vmem>>
        %dma_start3A_219 = arith.constant 0 : i32
        %dma_start3A_220 = arith.constant 0 : i32
        %dma_start3A_221 = tpu.memref_slice %arg2[%dma_start3A_219, %dma_start3A_220] : memref<20000x64xf32, #tpu.memory_space<hbm>> -> memref<20000x64xf32, #tpu.memory_space<hbm>>
        tpu.enqueue_indirect_dma source(%dma_start3A_221 : memref<20000x64xf32, #tpu.memory_space<hbm>>) target(%arg16 : memref<80x64xf32, #tpu.memory_space<vmem>>) offsets(%dma_start3A_218 : memref<80xi32, #tpu.memory_space<vmem>>) semaphore(%arg11 : memref<!tpu.dma_semaphore, #tpu.memory_space<semaphore_mem>>)
      } else {
      }
      %add3A_154 = arith.constant 1 : i32
      %add3A_155 = arith.addi %mul3A_71, %add3A_154 : i32
      %dma_wait3A_156 = arith.constant 0 : i32
      %dma_wait3A_157 = tpu.memref_slice %arg10[%add3A_87, %dma_wait3A_156] : memref<250x80xi32, #tpu.memory_space<vmem>> -> memref<1x80xi32, #tpu.memory_space<vmem>>
      %dma_wait3A_158 = tpu.memref_squeeze %dma_wait3A_157 : memref<1x80xi32, #tpu.memory_space<vmem>> -> memref<80xi32, #tpu.memory_space<vmem>>
      %dma_wait3A_159 = arith.constant 0 : i32
      %dma_wait3A_160 = arith.constant 0 : i32
      %dma_wait3A_161 = tpu.memref_slice %arg9[%dma_wait3A_159, %dma_wait3A_160] : memref<10240x64xf32, #tpu.memory_space<vmem_shared>> -> memref<10240x64xf32, #tpu.memory_space<vmem_shared>>
      tpu.wait_indirect_dma semaphore(%arg23 : memref<!tpu.dma_semaphore, #tpu.memory_space<semaphore_mem>>) src(%arg17 : memref<80x64xf32, #tpu.memory_space<vmem>>) dst(%dma_wait3A_161 : memref<10240x64xf32, #tpu.memory_space<vmem_shared>>)
      %add3A_162 = arith.constant 5 : i32
      %add3A_163 = arith.addi %add3A_155, %add3A_162 : i32
      %lt3A_164 = arith.constant 250 : i32
      %lt3A_165 = arith.cmpi slt, %add3A_163, %lt3A_164 : i32
      %convert_element_type3A_166 = arith.extui %lt3A_165 : i1 to i32
      %cond3A_167 = arith.constant 0 : i32
      %cond3A_168 = arith.cmpi ne, %convert_element_type3A_166, %cond3A_167 : i32
      scf.if %cond3A_168 {
        %add3A_214 = arith.constant 5 : i32
        %add3A_215 = arith.addi %add3A_155, %add3A_214 : i32
        %dma_start3A_216 = arith.constant 0 : i32
        %dma_start3A_217 = tpu.memref_slice %arg21[%add3A_215, %dma_start3A_216] : memref<250x80xi32, #tpu.memory_space<vmem>> -> memref<1x80xi32, #tpu.memory_space<vmem>>
        %dma_start3A_218 = tpu.memref_squeeze %dma_start3A_217 : memref<1x80xi32, #tpu.memory_space<vmem>> -> memref<80xi32, #tpu.memory_space<vmem>>
        %dma_start3A_219 = arith.constant 0 : i32
        %dma_start3A_220 = arith.constant 0 : i32
        %dma_start3A_221 = tpu.memref_slice %arg2[%dma_start3A_219, %dma_start3A_220] : memref<20000x64xf32, #tpu.memory_space<hbm>> -> memref<20000x64xf32, #tpu.memory_space<hbm>>
        tpu.enqueue_indirect_dma source(%dma_start3A_221 : memref<20000x64xf32, #tpu.memory_space<hbm>>) target(%arg17 : memref<80x64xf32, #tpu.memory_space<vmem>>) offsets(%dma_start3A_218 : memref<80xi32, #tpu.memory_space<vmem>>) semaphore(%arg12 : memref<!tpu.dma_semaphore, #tpu.memory_space<semaphore_mem>>)
      } else {
      }
      %add3A_169 = arith.constant 2 : i32
      %add3A_170 = arith.addi %mul3A_71, %add3A_169 : i32
      %dma_wait3A_171 = arith.constant 0 : i32
      %dma_wait3A_172 = tpu.memref_slice %arg10[%add3A_101, %dma_wait3A_171] : memref<250x80xi32, #tpu.memory_space<vmem>> -> memref<1x80xi32, #tpu.memory_space<vmem>>
      %dma_wait3A_173 = tpu.memref_squeeze %dma_wait3A_172 : memref<1x80xi32, #tpu.memory_space<vmem>> -> memref<80xi32, #tpu.memory_space<vmem>>
      %dma_wait3A_174 = arith.constant 0 : i32
      %dma_wait3A_175 = arith.constant 0 : i32
      %dma_wait3A_176 = tpu.memref_slice %arg9[%dma_wait3A_174, %dma_wait3A_175] : memref<10240x64xf32, #tpu.memory_space<vmem_shared>> -> memref<10240x64xf32, #tpu.memory_space<vmem_shared>>
      tpu.wait_indirect_dma semaphore(%arg24 : memref<!tpu.dma_semaphore, #tpu.memory_space<semaphore_mem>>) src(%arg18 : memref<80x64xf32, #tpu.memory_space<vmem>>) dst(%dma_wait3A_176 : memref<10240x64xf32, #tpu.memory_space<vmem_shared>>)
      %add3A_177 = arith.constant 5 : i32
      %add3A_178 = arith.addi %add3A_170, %add3A_177 : i32
      %lt3A_179 = arith.constant 250 : i32
      %lt3A_180 = arith.cmpi slt, %add3A_178, %lt3A_179 : i32
      %convert_element_type3A_181 = arith.extui %lt3A_180 : i1 to i32
      %cond3A_182 = arith.constant 0 : i32
      %cond3A_183 = arith.cmpi ne, %convert_element_type3A_181, %cond3A_182 : i32
      scf.if %cond3A_183 {
        %add3A_214 = arith.constant 5 : i32
        %add3A_215 = arith.addi %add3A_170, %add3A_214 : i32
        %dma_start3A_216 = arith.constant 0 : i32
        %dma_start3A_217 = tpu.memref_slice %arg21[%add3A_215, %dma_start3A_216] : memref<250x80xi32, #tpu.memory_space<vmem>> -> memref<1x80xi32, #tpu.memory_space<vmem>>
        %dma_start3A_218 = tpu.memref_squeeze %dma_start3A_217 : memref<1x80xi32, #tpu.memory_space<vmem>> -> memref<80xi32, #tpu.memory_space<vmem>>
        %dma_start3A_219 = arith.constant 0 : i32
        %dma_start3A_220 = arith.constant 0 : i32
        %dma_start3A_221 = tpu.memref_slice %arg2[%dma_start3A_219, %dma_start3A_220] : memref<20000x64xf32, #tpu.memory_space<hbm>> -> memref<20000x64xf32, #tpu.memory_space<hbm>>
        tpu.enqueue_indirect_dma source(%dma_start3A_221 : memref<20000x64xf32, #tpu.memory_space<hbm>>) target(%arg18 : memref<80x64xf32, #tpu.memory_space<vmem>>) offsets(%dma_start3A_218 : memref<80xi32, #tpu.memory_space<vmem>>) semaphore(%arg13 : memref<!tpu.dma_semaphore, #tpu.memory_space<semaphore_mem>>)
      } else {
      }
      %add3A_184 = arith.constant 3 : i32
      %add3A_185 = arith.addi %mul3A_71, %add3A_184 : i32
      %dma_wait3A_186 = arith.constant 0 : i32
      %dma_wait3A_187 = tpu.memref_slice %arg10[%add3A_115, %dma_wait3A_186] : memref<250x80xi32, #tpu.memory_space<vmem>> -> memref<1x80xi32, #tpu.memory_space<vmem>>
      %dma_wait3A_188 = tpu.memref_squeeze %dma_wait3A_187 : memref<1x80xi32, #tpu.memory_space<vmem>> -> memref<80xi32, #tpu.memory_space<vmem>>
      %dma_wait3A_189 = arith.constant 0 : i32
      %dma_wait3A_190 = arith.constant 0 : i32
      %dma_wait3A_191 = tpu.memref_slice %arg9[%dma_wait3A_189, %dma_wait3A_190] : memref<10240x64xf32, #tpu.memory_space<vmem_shared>> -> memref<10240x64xf32, #tpu.memory_space<vmem_shared>>
      tpu.wait_indirect_dma semaphore(%arg25 : memref<!tpu.dma_semaphore, #tpu.memory_space<semaphore_mem>>) src(%arg19 : memref<80x64xf32, #tpu.memory_space<vmem>>) dst(%dma_wait3A_191 : memref<10240x64xf32, #tpu.memory_space<vmem_shared>>)
      %add3A_192 = arith.constant 5 : i32
      %add3A_193 = arith.addi %add3A_185, %add3A_192 : i32
      %lt3A_194 = arith.constant 250 : i32
      %lt3A_195 = arith.cmpi slt, %add3A_193, %lt3A_194 : i32
      %convert_element_type3A_196 = arith.extui %lt3A_195 : i1 to i32
      %cond3A_197 = arith.constant 0 : i32
      %cond3A_198 = arith.cmpi ne, %convert_element_type3A_196, %cond3A_197 : i32
      scf.if %cond3A_198 {
        %add3A_214 = arith.constant 5 : i32
        %add3A_215 = arith.addi %add3A_185, %add3A_214 : i32
        %dma_start3A_216 = arith.constant 0 : i32
        %dma_start3A_217 = tpu.memref_slice %arg21[%add3A_215, %dma_start3A_216] : memref<250x80xi32, #tpu.memory_space<vmem>> -> memref<1x80xi32, #tpu.memory_space<vmem>>
        %dma_start3A_218 = tpu.memref_squeeze %dma_start3A_217 : memref<1x80xi32, #tpu.memory_space<vmem>> -> memref<80xi32, #tpu.memory_space<vmem>>
        %dma_start3A_219 = arith.constant 0 : i32
        %dma_start3A_220 = arith.constant 0 : i32
        %dma_start3A_221 = tpu.memref_slice %arg2[%dma_start3A_219, %dma_start3A_220] : memref<20000x64xf32, #tpu.memory_space<hbm>> -> memref<20000x64xf32, #tpu.memory_space<hbm>>
        tpu.enqueue_indirect_dma source(%dma_start3A_221 : memref<20000x64xf32, #tpu.memory_space<hbm>>) target(%arg19 : memref<80x64xf32, #tpu.memory_space<vmem>>) offsets(%dma_start3A_218 : memref<80xi32, #tpu.memory_space<vmem>>) semaphore(%arg14 : memref<!tpu.dma_semaphore, #tpu.memory_space<semaphore_mem>>)
      } else {
      }
      %add3A_199 = arith.constant 4 : i32
      %add3A_200 = arith.addi %mul3A_71, %add3A_199 : i32
      %dma_wait3A_201 = arith.constant 0 : i32
      %dma_wait3A_202 = tpu.memref_slice %arg10[%add3A_129, %dma_wait3A_201] : memref<250x80xi32, #tpu.memory_space<vmem>> -> memref<1x80xi32, #tpu.memory_space<vmem>>
      %dma_wait3A_203 = tpu.memref_squeeze %dma_wait3A_202 : memref<1x80xi32, #tpu.memory_space<vmem>> -> memref<80xi32, #tpu.memory_space<vmem>>
      %dma_wait3A_204 = arith.constant 0 : i32
      %dma_wait3A_205 = arith.constant 0 : i32
      %dma_wait3A_206 = tpu.memref_slice %arg9[%dma_wait3A_204, %dma_wait3A_205] : memref<10240x64xf32, #tpu.memory_space<vmem_shared>> -> memref<10240x64xf32, #tpu.memory_space<vmem_shared>>
      tpu.wait_indirect_dma semaphore(%arg26 : memref<!tpu.dma_semaphore, #tpu.memory_space<semaphore_mem>>) src(%arg20 : memref<80x64xf32, #tpu.memory_space<vmem>>) dst(%dma_wait3A_206 : memref<10240x64xf32, #tpu.memory_space<vmem_shared>>)
      %add3A_207 = arith.constant 5 : i32
      %add3A_208 = arith.addi %add3A_200, %add3A_207 : i32
      %lt3A_209 = arith.constant 250 : i32
      %lt3A_210 = arith.cmpi slt, %add3A_208, %lt3A_209 : i32
      %convert_element_type3A_211 = arith.extui %lt3A_210 : i1 to i32
      %cond3A_212 = arith.constant 0 : i32
      %cond3A_213 = arith.cmpi ne, %convert_element_type3A_211, %cond3A_212 : i32
      scf.if %cond3A_213 {
        %add3A_214 = arith.constant 5 : i32
        %add3A_215 = arith.addi %add3A_200, %add3A_214 : i32
        %dma_start3A_216 = arith.constant 0 : i32
        %dma_start3A_217 = tpu.memref_slice %arg21[%add3A_215, %dma_start3A_216] : memref<250x80xi32, #tpu.memory_space<vmem>> -> memref<1x80xi32, #tpu.memory_space<vmem>>
        %dma_start3A_218 = tpu.memref_squeeze %dma_start3A_217 : memref<1x80xi32, #tpu.memory_space<vmem>> -> memref<80xi32, #tpu.memory_space<vmem>>
        %dma_start3A_219 = arith.constant 0 : i32
        %dma_start3A_220 = arith.constant 0 : i32
        %dma_start3A_221 = tpu.memref_slice %arg2[%dma_start3A_219, %dma_start3A_220] : memref<20000x64xf32, #tpu.memory_space<hbm>> -> memref<20000x64xf32, #tpu.memory_space<hbm>>
        tpu.enqueue_indirect_dma source(%dma_start3A_221 : memref<20000x64xf32, #tpu.memory_space<hbm>>) target(%arg20 : memref<80x64xf32, #tpu.memory_space<vmem>>) offsets(%dma_start3A_218 : memref<80xi32, #tpu.memory_space<vmem>>) semaphore(%arg15 : memref<!tpu.dma_semaphore, #tpu.memory_space<semaphore_mem>>)
      } else {
      }
    }
    %scan3A_64 = arith.constant 50 : i32
    %barrier3A_65 = arith.constant 0 : index
    tpu.barrier barrier_id(%barrier3A_65)
    %mul3A_66 = arith.constant 10240 : i32
    %mul3A_67 = arith.muli %arg0, %mul3A_66 : i32
    %add3A_68 = arith.addi %mul3A_67, %mul3A_0 : i32
    "tpu.region"() ({
      %run_scoped3A = tpu.sem_alloc : memref<!tpu.dma_semaphore, #tpu.memory_space<semaphore_mem>>
      %dma_start3A_69 = arith.constant 0 : i32
      %dma_start3A_70 = tpu.memref_slice %arg8[%add3A_68, %dma_start3A_69] : memref<20480x64xf32, #tpu.memory_space<hbm>> -> memref<640x64xf32, #tpu.memory_space<hbm>>
      %dma_start3A_71 = arith.constant 0 : i32
      %dma_start3A_72 = tpu.memref_slice %arg9[%mul3A_0, %dma_start3A_71] : memref<10240x64xf32, #tpu.memory_space<vmem_shared>> -> memref<640x64xf32, #tpu.memory_space<vmem_shared>>
      tpu.enqueue_dma source(%dma_start3A_72 : memref<640x64xf32, #tpu.memory_space<vmem_shared>>) target(%dma_start3A_70 : memref<640x64xf32, #tpu.memory_space<hbm>>) target_semaphore(%run_scoped3A : memref<!tpu.dma_semaphore, #tpu.memory_space<semaphore_mem>>)
      %dma_wait3A_73 = arith.constant 0 : i32
      %dma_wait3A_74 = tpu.memref_slice %arg8[%add3A_68, %dma_wait3A_73] : memref<20480x64xf32, #tpu.memory_space<hbm>> -> memref<640x64xf32, #tpu.memory_space<hbm>>
      %dma_wait3A_75 = arith.constant 0 : i32
      %dma_wait3A_76 = tpu.memref_slice %arg9[%mul3A_0, %dma_wait3A_75] : memref<10240x64xf32, #tpu.memory_space<vmem_shared>> -> memref<640x64xf32, #tpu.memory_space<vmem_shared>>
      tpu.wait_dma2 semaphore(%run_scoped3A : memref<!tpu.dma_semaphore, #tpu.memory_space<semaphore_mem>>) src(%dma_wait3A_76 : memref<640x64xf32, #tpu.memory_space<vmem_shared>>) dst(%dma_wait3A_74 : memref<640x64xf32, #tpu.memory_space<hbm>>)
      tpu.yield
    }) : () -> ()
    return
  }
}

#map = affine_map<(d0, d1) -> (0, 0)>
module attributes {stable_mosaic.version = 14 : i64} {
  func.func @body(%arg0: i32, %arg1: i32, %arg2: memref<20000x64xf32, #tpu.memory_space<hbm>>, %arg3: memref<8000x80xi32, #tpu.memory_space<hbm>>, %arg4: memref<4000x80xi32, #tpu.memory_space<hbm>>, %arg5: memref<640x64xf32, #tpu.memory_space<hbm>>, %arg6: memref<640x16xf32, #tpu.memory_space<hbm>>, %arg7: memref<80x16xf32, #tpu.memory_space<hbm>>, %arg8: memref<20480x64xf32, #tpu.memory_space<hbm>>, %arg9: memref<10240x16xf32, #tpu.memory_space<hbm>>, %arg10: memref<10240x16xf32, #tpu.memory_space<hbm>>, %arg11: memref<10240x64xf32, #tpu.memory_space<vmem_shared>>, %arg12: memref<10240x16xf32, #tpu.memory_space<vmem_shared>>, %arg13: memref<!tpu.dma_semaphore, #tpu.memory_space<semaphore_mem>>, %arg14: memref<!tpu.dma_semaphore, #tpu.memory_space<semaphore_mem>>, %arg15: memref<!tpu.dma_semaphore, #tpu.memory_space<semaphore_mem>>, %arg16: memref<!tpu.dma_semaphore, #tpu.memory_space<semaphore_mem>>, %arg17: memref<!tpu.dma_semaphore, #tpu.memory_space<semaphore_mem>>, %arg18: memref<250x80xi32, #tpu.memory_space<vmem>>, %arg19: memref<!tpu.dma_semaphore, #tpu.memory_space<semaphore_mem>>, %arg20: memref<!tpu.dma_semaphore, #tpu.memory_space<semaphore_mem>>, %arg21: memref<!tpu.dma_semaphore, #tpu.memory_space<semaphore_mem>>, %arg22: memref<!tpu.dma_semaphore, #tpu.memory_space<semaphore_mem>>, %arg23: memref<!tpu.dma_semaphore, #tpu.memory_space<semaphore_mem>>, %arg24: memref<80x16xf32, #tpu.memory_space<vmem>>, %arg25: memref<80x64xf32, #tpu.memory_space<vmem>>, %arg26: memref<80x64xf32, #tpu.memory_space<vmem>>, %arg27: memref<80x64xf32, #tpu.memory_space<vmem>>, %arg28: memref<80x64xf32, #tpu.memory_space<vmem>>, %arg29: memref<80x64xf32, #tpu.memory_space<vmem>>, %arg30: memref<250x80xi32, #tpu.memory_space<vmem>>, %arg31: memref<!tpu.dma_semaphore, #tpu.memory_space<semaphore_mem>>, %arg32: memref<!tpu.dma_semaphore, #tpu.memory_space<semaphore_mem>>, %arg33: memref<!tpu.dma_semaphore, #tpu.memory_space<semaphore_mem>>, %arg34: memref<!tpu.dma_semaphore, #tpu.memory_space<semaphore_mem>>, %arg35: memref<!tpu.dma_semaphore, #tpu.memory_space<semaphore_mem>>) attributes {dimension_semantics = [#tpu.dimension_semantics<core_parallel>, #tpu.dimension_semantics<subcore_parallel>], iteration_bounds = array<i64: 2, 16>, scalar_prefetch = 0 : i64, scratch_operands = 25 : i64, tpu.core_type = #tpu.core_type<sc_vector_subcore>, window_params = [{transform_indices = #map}, {transform_indices = #map}, {transform_indices = #map}, {transform_indices = #map}, {transform_indices = #map}, {transform_indices = #map}, {transform_indices = #map}, {transform_indices = #map}, {transform_indices = #map}]} {
    %mul3A = arith.constant 640 : i32
    %mul3A_0 = arith.muli %arg1, %mul3A : i32
    %mul3A_1 = arith.constant 16 : i32
    %mul3A_2 = arith.muli %arg0, %mul3A_1 : i32
    %add3A = arith.addi %mul3A_2, %arg1 : i32
    %mul3A_3 = arith.constant 250 : i32
    %mul3A_4 = arith.muli %add3A, %mul3A_3 : i32
    %dma_start3A = arith.constant 0 : i32
    %dma_start3A_5 = tpu.memref_slice %arg3[%mul3A_4, %dma_start3A] : memref<8000x80xi32, #tpu.memory_space<hbm>> -> memref<250x80xi32, #tpu.memory_space<hbm>>
    %dma_start3A_6 = arith.constant 0 : i32
    %dma_start3A_7 = tpu.memref_slice %arg3[%mul3A_4, %dma_start3A_6] : memref<8000x80xi32, #tpu.memory_space<hbm>> -> memref<250x80xi32, #tpu.memory_space<hbm>>
    tpu.enqueue_dma source(%dma_start3A_7 : memref<250x80xi32, #tpu.memory_space<hbm>>) target(%arg30 : memref<250x80xi32, #tpu.memory_space<vmem>>) target_semaphore(%arg19 : memref<!tpu.dma_semaphore, #tpu.memory_space<semaphore_mem>>)
    %mul3A_8 = arith.constant 250 : i32
    %mul3A_9 = arith.muli %arg1, %mul3A_8 : i32
    %dma_start3A_10 = arith.constant 0 : i32
    %dma_start3A_11 = tpu.memref_slice %arg4[%mul3A_9, %dma_start3A_10] : memref<4000x80xi32, #tpu.memory_space<hbm>> -> memref<250x80xi32, #tpu.memory_space<hbm>>
    %dma_start3A_12 = arith.constant 0 : i32
    %dma_start3A_13 = tpu.memref_slice %arg4[%mul3A_9, %dma_start3A_12] : memref<4000x80xi32, #tpu.memory_space<hbm>> -> memref<250x80xi32, #tpu.memory_space<hbm>>
    tpu.enqueue_dma source(%dma_start3A_13 : memref<250x80xi32, #tpu.memory_space<hbm>>) target(%arg18 : memref<250x80xi32, #tpu.memory_space<vmem>>) target_semaphore(%arg20 : memref<!tpu.dma_semaphore, #tpu.memory_space<semaphore_mem>>)
    %dma_start3A_14 = arith.constant 0 : i32
    %dma_start3A_15 = tpu.memref_slice %arg11[%mul3A_0, %dma_start3A_14] : memref<10240x64xf32, #tpu.memory_space<vmem_shared>> -> memref<640x64xf32, #tpu.memory_space<vmem_shared>>
    tpu.enqueue_dma source(%arg5 : memref<640x64xf32, #tpu.memory_space<hbm>>) target(%dma_start3A_15 : memref<640x64xf32, #tpu.memory_space<vmem_shared>>) target_semaphore(%arg21 : memref<!tpu.dma_semaphore, #tpu.memory_space<semaphore_mem>>)
    tpu.enqueue_dma source(%arg7 : memref<80x16xf32, #tpu.memory_space<hbm>>) target(%arg24 : memref<80x16xf32, #tpu.memory_space<vmem>>) target_semaphore(%arg22 : memref<!tpu.dma_semaphore, #tpu.memory_space<semaphore_mem>>)
    %dma_start3A_16 = arith.constant 0 : i32
    %dma_start3A_17 = tpu.memref_slice %arg12[%mul3A_0, %dma_start3A_16] : memref<10240x16xf32, #tpu.memory_space<vmem_shared>> -> memref<640x16xf32, #tpu.memory_space<vmem_shared>>
    tpu.enqueue_dma source(%arg6 : memref<640x16xf32, #tpu.memory_space<hbm>>) target(%dma_start3A_17 : memref<640x16xf32, #tpu.memory_space<vmem_shared>>) target_semaphore(%arg23 : memref<!tpu.dma_semaphore, #tpu.memory_space<semaphore_mem>>)
    %dma_wait3A = arith.constant 0 : i32
    %dma_wait3A_18 = tpu.memref_slice %arg3[%mul3A_4, %dma_wait3A] : memref<8000x80xi32, #tpu.memory_space<hbm>> -> memref<250x80xi32, #tpu.memory_space<hbm>>
    %dma_wait3A_19 = arith.constant 0 : i32
    %dma_wait3A_20 = tpu.memref_slice %arg3[%mul3A_4, %dma_wait3A_19] : memref<8000x80xi32, #tpu.memory_space<hbm>> -> memref<250x80xi32, #tpu.memory_space<hbm>>
    tpu.wait_dma2 semaphore(%arg19 : memref<!tpu.dma_semaphore, #tpu.memory_space<semaphore_mem>>) src(%dma_wait3A_20 : memref<250x80xi32, #tpu.memory_space<hbm>>) dst(%arg30 : memref<250x80xi32, #tpu.memory_space<vmem>>)
    %dma_wait3A_21 = arith.constant 0 : i32
    %dma_wait3A_22 = tpu.memref_slice %arg4[%mul3A_9, %dma_wait3A_21] : memref<4000x80xi32, #tpu.memory_space<hbm>> -> memref<250x80xi32, #tpu.memory_space<hbm>>
    %dma_wait3A_23 = arith.constant 0 : i32
    %dma_wait3A_24 = tpu.memref_slice %arg4[%mul3A_9, %dma_wait3A_23] : memref<4000x80xi32, #tpu.memory_space<hbm>> -> memref<250x80xi32, #tpu.memory_space<hbm>>
    tpu.wait_dma2 semaphore(%arg20 : memref<!tpu.dma_semaphore, #tpu.memory_space<semaphore_mem>>) src(%dma_wait3A_24 : memref<250x80xi32, #tpu.memory_space<hbm>>) dst(%arg18 : memref<250x80xi32, #tpu.memory_space<vmem>>)
    %dma_wait3A_25 = arith.constant 0 : i32
    %dma_wait3A_26 = tpu.memref_slice %arg11[%mul3A_0, %dma_wait3A_25] : memref<10240x64xf32, #tpu.memory_space<vmem_shared>> -> memref<640x64xf32, #tpu.memory_space<vmem_shared>>
    tpu.wait_dma2 semaphore(%arg21 : memref<!tpu.dma_semaphore, #tpu.memory_space<semaphore_mem>>) src(%arg5 : memref<640x64xf32, #tpu.memory_space<hbm>>) dst(%dma_wait3A_26 : memref<640x64xf32, #tpu.memory_space<vmem_shared>>)
    tpu.wait_dma2 semaphore(%arg22 : memref<!tpu.dma_semaphore, #tpu.memory_space<semaphore_mem>>) src(%arg7 : memref<80x16xf32, #tpu.memory_space<hbm>>) dst(%arg24 : memref<80x16xf32, #tpu.memory_space<vmem>>)
    %dma_wait3A_27 = arith.constant 0 : i32
    %dma_wait3A_28 = tpu.memref_slice %arg12[%mul3A_0, %dma_wait3A_27] : memref<10240x16xf32, #tpu.memory_space<vmem_shared>> -> memref<640x16xf32, #tpu.memory_space<vmem_shared>>
    tpu.wait_dma2 semaphore(%arg23 : memref<!tpu.dma_semaphore, #tpu.memory_space<semaphore_mem>>) src(%arg6 : memref<640x16xf32, #tpu.memory_space<hbm>>) dst(%dma_wait3A_28 : memref<640x16xf32, #tpu.memory_space<vmem_shared>>)
    %barrier3A = arith.constant 0 : index
    tpu.barrier barrier_id(%barrier3A)
    %dma_start3A_29 = arith.constant 0 : i32
    %dma_start3A_30 = arith.constant 0 : i32
    %dma_start3A_31 = tpu.memref_slice %arg30[%dma_start3A_29, %dma_start3A_30] : memref<250x80xi32, #tpu.memory_space<vmem>> -> memref<1x80xi32, #tpu.memory_space<vmem>>
    %dma_start3A_32 = tpu.memref_squeeze %dma_start3A_31 : memref<1x80xi32, #tpu.memory_space<vmem>> -> memref<80xi32, #tpu.memory_space<vmem>>
    %dma_start3A_33 = arith.constant 0 : i32
    %dma_start3A_34 = arith.constant 0 : i32
    %dma_start3A_35 = tpu.memref_slice %arg2[%dma_start3A_33, %dma_start3A_34] : memref<20000x64xf32, #tpu.memory_space<hbm>> -> memref<20000x64xf32, #tpu.memory_space<hbm>>
    tpu.enqueue_indirect_dma source(%dma_start3A_35 : memref<20000x64xf32, #tpu.memory_space<hbm>>) target(%arg25 : memref<80x64xf32, #tpu.memory_space<vmem>>) offsets(%dma_start3A_32 : memref<80xi32, #tpu.memory_space<vmem>>) semaphore(%arg19 : memref<!tpu.dma_semaphore, #tpu.memory_space<semaphore_mem>>)
    %dma_start3A_36 = arith.constant 1 : i32
    %dma_start3A_37 = arith.constant 0 : i32
    %dma_start3A_38 = tpu.memref_slice %arg30[%dma_start3A_36, %dma_start3A_37] : memref<250x80xi32, #tpu.memory_space<vmem>> -> memref<1x80xi32, #tpu.memory_space<vmem>>
    %dma_start3A_39 = tpu.memref_squeeze %dma_start3A_38 : memref<1x80xi32, #tpu.memory_space<vmem>> -> memref<80xi32, #tpu.memory_space<vmem>>
    %dma_start3A_40 = arith.constant 0 : i32
    %dma_start3A_41 = arith.constant 0 : i32
    %dma_start3A_42 = tpu.memref_slice %arg2[%dma_start3A_40, %dma_start3A_41] : memref<20000x64xf32, #tpu.memory_space<hbm>> -> memref<20000x64xf32, #tpu.memory_space<hbm>>
    tpu.enqueue_indirect_dma source(%dma_start3A_42 : memref<20000x64xf32, #tpu.memory_space<hbm>>) target(%arg26 : memref<80x64xf32, #tpu.memory_space<vmem>>) offsets(%dma_start3A_39 : memref<80xi32, #tpu.memory_space<vmem>>) semaphore(%arg20 : memref<!tpu.dma_semaphore, #tpu.memory_space<semaphore_mem>>)
    %dma_start3A_43 = arith.constant 2 : i32
    %dma_start3A_44 = arith.constant 0 : i32
    %dma_start3A_45 = tpu.memref_slice %arg30[%dma_start3A_43, %dma_start3A_44] : memref<250x80xi32, #tpu.memory_space<vmem>> -> memref<1x80xi32, #tpu.memory_space<vmem>>
    %dma_start3A_46 = tpu.memref_squeeze %dma_start3A_45 : memref<1x80xi32, #tpu.memory_space<vmem>> -> memref<80xi32, #tpu.memory_space<vmem>>
    %dma_start3A_47 = arith.constant 0 : i32
    %dma_start3A_48 = arith.constant 0 : i32
    %dma_start3A_49 = tpu.memref_slice %arg2[%dma_start3A_47, %dma_start3A_48] : memref<20000x64xf32, #tpu.memory_space<hbm>> -> memref<20000x64xf32, #tpu.memory_space<hbm>>
    tpu.enqueue_indirect_dma source(%dma_start3A_49 : memref<20000x64xf32, #tpu.memory_space<hbm>>) target(%arg27 : memref<80x64xf32, #tpu.memory_space<vmem>>) offsets(%dma_start3A_46 : memref<80xi32, #tpu.memory_space<vmem>>) semaphore(%arg21 : memref<!tpu.dma_semaphore, #tpu.memory_space<semaphore_mem>>)
    %dma_start3A_50 = arith.constant 3 : i32
    %dma_start3A_51 = arith.constant 0 : i32
    %dma_start3A_52 = tpu.memref_slice %arg30[%dma_start3A_50, %dma_start3A_51] : memref<250x80xi32, #tpu.memory_space<vmem>> -> memref<1x80xi32, #tpu.memory_space<vmem>>
    %dma_start3A_53 = tpu.memref_squeeze %dma_start3A_52 : memref<1x80xi32, #tpu.memory_space<vmem>> -> memref<80xi32, #tpu.memory_space<vmem>>
    %dma_start3A_54 = arith.constant 0 : i32
    %dma_start3A_55 = arith.constant 0 : i32
    %dma_start3A_56 = tpu.memref_slice %arg2[%dma_start3A_54, %dma_start3A_55] : memref<20000x64xf32, #tpu.memory_space<hbm>> -> memref<20000x64xf32, #tpu.memory_space<hbm>>
    tpu.enqueue_indirect_dma source(%dma_start3A_56 : memref<20000x64xf32, #tpu.memory_space<hbm>>) target(%arg28 : memref<80x64xf32, #tpu.memory_space<vmem>>) offsets(%dma_start3A_53 : memref<80xi32, #tpu.memory_space<vmem>>) semaphore(%arg22 : memref<!tpu.dma_semaphore, #tpu.memory_space<semaphore_mem>>)
    %dma_start3A_57 = arith.constant 4 : i32
    %dma_start3A_58 = arith.constant 0 : i32
    %dma_start3A_59 = tpu.memref_slice %arg30[%dma_start3A_57, %dma_start3A_58] : memref<250x80xi32, #tpu.memory_space<vmem>> -> memref<1x80xi32, #tpu.memory_space<vmem>>
    %dma_start3A_60 = tpu.memref_squeeze %dma_start3A_59 : memref<1x80xi32, #tpu.memory_space<vmem>> -> memref<80xi32, #tpu.memory_space<vmem>>
    %dma_start3A_61 = arith.constant 0 : i32
    %dma_start3A_62 = arith.constant 0 : i32
    %dma_start3A_63 = tpu.memref_slice %arg2[%dma_start3A_61, %dma_start3A_62] : memref<20000x64xf32, #tpu.memory_space<hbm>> -> memref<20000x64xf32, #tpu.memory_space<hbm>>
    tpu.enqueue_indirect_dma source(%dma_start3A_63 : memref<20000x64xf32, #tpu.memory_space<hbm>>) target(%arg29 : memref<80x64xf32, #tpu.memory_space<vmem>>) offsets(%dma_start3A_60 : memref<80xi32, #tpu.memory_space<vmem>>) semaphore(%arg23 : memref<!tpu.dma_semaphore, #tpu.memory_space<semaphore_mem>>)
    %scan3A = arith.constant 0 : i32
    %scan3A_64 = arith.constant 0 : i32
    %scan3A_65 = arith.constant 50 : i32
    %scan3A_66 = arith.addi %scan3A_64, %scan3A_65 : i32
    %scan3A_67 = arith.constant 1 : i32
    scf.for %scan3A_80 = %scan3A_64 to %scan3A_66 step %scan3A_67  : i32 {
      %mul3A_81 = arith.constant 5 : i32
      %mul3A_82 = arith.muli %scan3A_80, %mul3A_81 : i32
      %add3A_83 = arith.constant 0 : i32
      %add3A_84 = arith.addi %mul3A_82, %add3A_83 : i32
      %dma_wait3A_85 = arith.constant 0 : i32
      %dma_wait3A_86 = tpu.memref_slice %arg30[%add3A_84, %dma_wait3A_85] : memref<250x80xi32, #tpu.memory_space<vmem>> -> memref<1x80xi32, #tpu.memory_space<vmem>>
      %dma_wait3A_87 = tpu.memref_squeeze %dma_wait3A_86 : memref<1x80xi32, #tpu.memory_space<vmem>> -> memref<80xi32, #tpu.memory_space<vmem>>
      %dma_wait3A_88 = arith.constant 0 : i32
      %dma_wait3A_89 = arith.constant 0 : i32
      %dma_wait3A_90 = tpu.memref_slice %arg2[%dma_wait3A_88, %dma_wait3A_89] : memref<20000x64xf32, #tpu.memory_space<hbm>> -> memref<20000x64xf32, #tpu.memory_space<hbm>>
      tpu.wait_indirect_dma semaphore(%arg19 : memref<!tpu.dma_semaphore, #tpu.memory_space<semaphore_mem>>) src(%dma_wait3A_90 : memref<20000x64xf32, #tpu.memory_space<hbm>>) dst(%arg25 : memref<80x64xf32, #tpu.memory_space<vmem>>)
      %dma_start3A_91 = arith.constant 0 : i32
      %dma_start3A_92 = tpu.memref_slice %arg18[%add3A_84, %dma_start3A_91] : memref<250x80xi32, #tpu.memory_space<vmem>> -> memref<1x80xi32, #tpu.memory_space<vmem>>
      %dma_start3A_93 = tpu.memref_squeeze %dma_start3A_92 : memref<1x80xi32, #tpu.memory_space<vmem>> -> memref<80xi32, #tpu.memory_space<vmem>>
      %dma_start3A_94 = arith.constant 0 : i32
      %dma_start3A_95 = arith.constant 0 : i32
      %dma_start3A_96 = tpu.memref_slice %arg11[%dma_start3A_94, %dma_start3A_95] : memref<10240x64xf32, #tpu.memory_space<vmem_shared>> -> memref<10240x64xf32, #tpu.memory_space<vmem_shared>>
      tpu.enqueue_indirect_dma source(%arg25 : memref<80x64xf32, #tpu.memory_space<vmem>>) target(%dma_start3A_96 : memref<10240x64xf32, #tpu.memory_space<vmem_shared>>) offsets(%dma_start3A_93 : memref<80xi32, #tpu.memory_space<vmem>>) semaphore(%arg31 : memref<!tpu.dma_semaphore, #tpu.memory_space<semaphore_mem>>) {add = true}
      %rem3A = arith.constant 2 : i32
      %rem3A_97 = arith.remsi %add3A_84, %rem3A : i32
      %eq3A_98 = arith.cmpi eq, %arg0, %rem3A_97 : i32
      %convert_element_type3A_99 = arith.extui %eq3A_98 : i1 to i32
      %cond3A_100 = arith.constant 0 : i32
      %cond3A_101 = arith.cmpi ne, %convert_element_type3A_99, %cond3A_100 : i32
      scf.if %cond3A_101 {
        %dma_start3A_286 = arith.constant 0 : i32
        %dma_start3A_287 = tpu.memref_slice %arg18[%add3A_84, %dma_start3A_286] : memref<250x80xi32, #tpu.memory_space<vmem>> -> memref<1x80xi32, #tpu.memory_space<vmem>>
        %dma_start3A_288 = tpu.memref_squeeze %dma_start3A_287 : memref<1x80xi32, #tpu.memory_space<vmem>> -> memref<80xi32, #tpu.memory_space<vmem>>
        %dma_start3A_289 = arith.constant 0 : i32
        %dma_start3A_290 = arith.constant 0 : i32
        %dma_start3A_291 = tpu.memref_slice %arg12[%dma_start3A_289, %dma_start3A_290] : memref<10240x16xf32, #tpu.memory_space<vmem_shared>> -> memref<10240x16xf32, #tpu.memory_space<vmem_shared>>
        tpu.enqueue_indirect_dma source(%arg24 : memref<80x16xf32, #tpu.memory_space<vmem>>) target(%dma_start3A_291 : memref<10240x16xf32, #tpu.memory_space<vmem_shared>>) offsets(%dma_start3A_288 : memref<80xi32, #tpu.memory_space<vmem>>) semaphore(%arg13 : memref<!tpu.dma_semaphore, #tpu.memory_space<semaphore_mem>>) {add = true}
      } else {
      }
      %add3A_102 = arith.constant 1 : i32
      %add3A_103 = arith.addi %mul3A_82, %add3A_102 : i32
      %dma_wait3A_104 = arith.constant 0 : i32
      %dma_wait3A_105 = tpu.memref_slice %arg30[%add3A_103, %dma_wait3A_104] : memref<250x80xi32, #tpu.memory_space<vmem>> -> memref<1x80xi32, #tpu.memory_space<vmem>>
      %dma_wait3A_106 = tpu.memref_squeeze %dma_wait3A_105 : memref<1x80xi32, #tpu.memory_space<vmem>> -> memref<80xi32, #tpu.memory_space<vmem>>
      %dma_wait3A_107 = arith.constant 0 : i32
      %dma_wait3A_108 = arith.constant 0 : i32
      %dma_wait3A_109 = tpu.memref_slice %arg2[%dma_wait3A_107, %dma_wait3A_108] : memref<20000x64xf32, #tpu.memory_space<hbm>> -> memref<20000x64xf32, #tpu.memory_space<hbm>>
      tpu.wait_indirect_dma semaphore(%arg20 : memref<!tpu.dma_semaphore, #tpu.memory_space<semaphore_mem>>) src(%dma_wait3A_109 : memref<20000x64xf32, #tpu.memory_space<hbm>>) dst(%arg26 : memref<80x64xf32, #tpu.memory_space<vmem>>)
      %dma_start3A_110 = arith.constant 0 : i32
      %dma_start3A_111 = tpu.memref_slice %arg18[%add3A_103, %dma_start3A_110] : memref<250x80xi32, #tpu.memory_space<vmem>> -> memref<1x80xi32, #tpu.memory_space<vmem>>
      %dma_start3A_112 = tpu.memref_squeeze %dma_start3A_111 : memref<1x80xi32, #tpu.memory_space<vmem>> -> memref<80xi32, #tpu.memory_space<vmem>>
      %dma_start3A_113 = arith.constant 0 : i32
      %dma_start3A_114 = arith.constant 0 : i32
      %dma_start3A_115 = tpu.memref_slice %arg11[%dma_start3A_113, %dma_start3A_114] : memref<10240x64xf32, #tpu.memory_space<vmem_shared>> -> memref<10240x64xf32, #tpu.memory_space<vmem_shared>>
      tpu.enqueue_indirect_dma source(%arg26 : memref<80x64xf32, #tpu.memory_space<vmem>>) target(%dma_start3A_115 : memref<10240x64xf32, #tpu.memory_space<vmem_shared>>) offsets(%dma_start3A_112 : memref<80xi32, #tpu.memory_space<vmem>>) semaphore(%arg32 : memref<!tpu.dma_semaphore, #tpu.memory_space<semaphore_mem>>) {add = true}
      %rem3A_116 = arith.constant 2 : i32
      %rem3A_117 = arith.remsi %add3A_103, %rem3A_116 : i32
      %eq3A_118 = arith.cmpi eq, %arg0, %rem3A_117 : i32
      %convert_element_type3A_119 = arith.extui %eq3A_118 : i1 to i32
      %cond3A_120 = arith.constant 0 : i32
      %cond3A_121 = arith.cmpi ne, %convert_element_type3A_119, %cond3A_120 : i32
      scf.if %cond3A_121 {
        %dma_start3A_286 = arith.constant 0 : i32
        %dma_start3A_287 = tpu.memref_slice %arg18[%add3A_103, %dma_start3A_286] : memref<250x80xi32, #tpu.memory_space<vmem>> -> memref<1x80xi32, #tpu.memory_space<vmem>>
        %dma_start3A_288 = tpu.memref_squeeze %dma_start3A_287 : memref<1x80xi32, #tpu.memory_space<vmem>> -> memref<80xi32, #tpu.memory_space<vmem>>
        %dma_start3A_289 = arith.constant 0 : i32
        %dma_start3A_290 = arith.constant 0 : i32
        %dma_start3A_291 = tpu.memref_slice %arg12[%dma_start3A_289, %dma_start3A_290] : memref<10240x16xf32, #tpu.memory_space<vmem_shared>> -> memref<10240x16xf32, #tpu.memory_space<vmem_shared>>
        tpu.enqueue_indirect_dma source(%arg24 : memref<80x16xf32, #tpu.memory_space<vmem>>) target(%dma_start3A_291 : memref<10240x16xf32, #tpu.memory_space<vmem_shared>>) offsets(%dma_start3A_288 : memref<80xi32, #tpu.memory_space<vmem>>) semaphore(%arg14 : memref<!tpu.dma_semaphore, #tpu.memory_space<semaphore_mem>>) {add = true}
      } else {
      }
      %add3A_122 = arith.constant 2 : i32
      %add3A_123 = arith.addi %mul3A_82, %add3A_122 : i32
      %dma_wait3A_124 = arith.constant 0 : i32
      %dma_wait3A_125 = tpu.memref_slice %arg30[%add3A_123, %dma_wait3A_124] : memref<250x80xi32, #tpu.memory_space<vmem>> -> memref<1x80xi32, #tpu.memory_space<vmem>>
      %dma_wait3A_126 = tpu.memref_squeeze %dma_wait3A_125 : memref<1x80xi32, #tpu.memory_space<vmem>> -> memref<80xi32, #tpu.memory_space<vmem>>
      %dma_wait3A_127 = arith.constant 0 : i32
      %dma_wait3A_128 = arith.constant 0 : i32
      %dma_wait3A_129 = tpu.memref_slice %arg2[%dma_wait3A_127, %dma_wait3A_128] : memref<20000x64xf32, #tpu.memory_space<hbm>> -> memref<20000x64xf32, #tpu.memory_space<hbm>>
      tpu.wait_indirect_dma semaphore(%arg21 : memref<!tpu.dma_semaphore, #tpu.memory_space<semaphore_mem>>) src(%dma_wait3A_129 : memref<20000x64xf32, #tpu.memory_space<hbm>>) dst(%arg27 : memref<80x64xf32, #tpu.memory_space<vmem>>)
      %dma_start3A_130 = arith.constant 0 : i32
      %dma_start3A_131 = tpu.memref_slice %arg18[%add3A_123, %dma_start3A_130] : memref<250x80xi32, #tpu.memory_space<vmem>> -> memref<1x80xi32, #tpu.memory_space<vmem>>
      %dma_start3A_132 = tpu.memref_squeeze %dma_start3A_131 : memref<1x80xi32, #tpu.memory_space<vmem>> -> memref<80xi32, #tpu.memory_space<vmem>>
      %dma_start3A_133 = arith.constant 0 : i32
      %dma_start3A_134 = arith.constant 0 : i32
      %dma_start3A_135 = tpu.memref_slice %arg11[%dma_start3A_133, %dma_start3A_134] : memref<10240x64xf32, #tpu.memory_space<vmem_shared>> -> memref<10240x64xf32, #tpu.memory_space<vmem_shared>>
      tpu.enqueue_indirect_dma source(%arg27 : memref<80x64xf32, #tpu.memory_space<vmem>>) target(%dma_start3A_135 : memref<10240x64xf32, #tpu.memory_space<vmem_shared>>) offsets(%dma_start3A_132 : memref<80xi32, #tpu.memory_space<vmem>>) semaphore(%arg33 : memref<!tpu.dma_semaphore, #tpu.memory_space<semaphore_mem>>) {add = true}
      %rem3A_136 = arith.constant 2 : i32
      %rem3A_137 = arith.remsi %add3A_123, %rem3A_136 : i32
      %eq3A_138 = arith.cmpi eq, %arg0, %rem3A_137 : i32
      %convert_element_type3A_139 = arith.extui %eq3A_138 : i1 to i32
      %cond3A_140 = arith.constant 0 : i32
      %cond3A_141 = arith.cmpi ne, %convert_element_type3A_139, %cond3A_140 : i32
      scf.if %cond3A_141 {
        %dma_start3A_286 = arith.constant 0 : i32
        %dma_start3A_287 = tpu.memref_slice %arg18[%add3A_123, %dma_start3A_286] : memref<250x80xi32, #tpu.memory_space<vmem>> -> memref<1x80xi32, #tpu.memory_space<vmem>>
        %dma_start3A_288 = tpu.memref_squeeze %dma_start3A_287 : memref<1x80xi32, #tpu.memory_space<vmem>> -> memref<80xi32, #tpu.memory_space<vmem>>
        %dma_start3A_289 = arith.constant 0 : i32
        %dma_start3A_290 = arith.constant 0 : i32
        %dma_start3A_291 = tpu.memref_slice %arg12[%dma_start3A_289, %dma_start3A_290] : memref<10240x16xf32, #tpu.memory_space<vmem_shared>> -> memref<10240x16xf32, #tpu.memory_space<vmem_shared>>
        tpu.enqueue_indirect_dma source(%arg24 : memref<80x16xf32, #tpu.memory_space<vmem>>) target(%dma_start3A_291 : memref<10240x16xf32, #tpu.memory_space<vmem_shared>>) offsets(%dma_start3A_288 : memref<80xi32, #tpu.memory_space<vmem>>) semaphore(%arg15 : memref<!tpu.dma_semaphore, #tpu.memory_space<semaphore_mem>>) {add = true}
      } else {
      }
      %add3A_142 = arith.constant 3 : i32
      %add3A_143 = arith.addi %mul3A_82, %add3A_142 : i32
      %dma_wait3A_144 = arith.constant 0 : i32
      %dma_wait3A_145 = tpu.memref_slice %arg30[%add3A_143, %dma_wait3A_144] : memref<250x80xi32, #tpu.memory_space<vmem>> -> memref<1x80xi32, #tpu.memory_space<vmem>>
      %dma_wait3A_146 = tpu.memref_squeeze %dma_wait3A_145 : memref<1x80xi32, #tpu.memory_space<vmem>> -> memref<80xi32, #tpu.memory_space<vmem>>
      %dma_wait3A_147 = arith.constant 0 : i32
      %dma_wait3A_148 = arith.constant 0 : i32
      %dma_wait3A_149 = tpu.memref_slice %arg2[%dma_wait3A_147, %dma_wait3A_148] : memref<20000x64xf32, #tpu.memory_space<hbm>> -> memref<20000x64xf32, #tpu.memory_space<hbm>>
      tpu.wait_indirect_dma semaphore(%arg22 : memref<!tpu.dma_semaphore, #tpu.memory_space<semaphore_mem>>) src(%dma_wait3A_149 : memref<20000x64xf32, #tpu.memory_space<hbm>>) dst(%arg28 : memref<80x64xf32, #tpu.memory_space<vmem>>)
      %dma_start3A_150 = arith.constant 0 : i32
      %dma_start3A_151 = tpu.memref_slice %arg18[%add3A_143, %dma_start3A_150] : memref<250x80xi32, #tpu.memory_space<vmem>> -> memref<1x80xi32, #tpu.memory_space<vmem>>
      %dma_start3A_152 = tpu.memref_squeeze %dma_start3A_151 : memref<1x80xi32, #tpu.memory_space<vmem>> -> memref<80xi32, #tpu.memory_space<vmem>>
      %dma_start3A_153 = arith.constant 0 : i32
      %dma_start3A_154 = arith.constant 0 : i32
      %dma_start3A_155 = tpu.memref_slice %arg11[%dma_start3A_153, %dma_start3A_154] : memref<10240x64xf32, #tpu.memory_space<vmem_shared>> -> memref<10240x64xf32, #tpu.memory_space<vmem_shared>>
      tpu.enqueue_indirect_dma source(%arg28 : memref<80x64xf32, #tpu.memory_space<vmem>>) target(%dma_start3A_155 : memref<10240x64xf32, #tpu.memory_space<vmem_shared>>) offsets(%dma_start3A_152 : memref<80xi32, #tpu.memory_space<vmem>>) semaphore(%arg34 : memref<!tpu.dma_semaphore, #tpu.memory_space<semaphore_mem>>) {add = true}
      %rem3A_156 = arith.constant 2 : i32
      %rem3A_157 = arith.remsi %add3A_143, %rem3A_156 : i32
      %eq3A_158 = arith.cmpi eq, %arg0, %rem3A_157 : i32
      %convert_element_type3A_159 = arith.extui %eq3A_158 : i1 to i32
      %cond3A_160 = arith.constant 0 : i32
      %cond3A_161 = arith.cmpi ne, %convert_element_type3A_159, %cond3A_160 : i32
      scf.if %cond3A_161 {
        %dma_start3A_286 = arith.constant 0 : i32
        %dma_start3A_287 = tpu.memref_slice %arg18[%add3A_143, %dma_start3A_286] : memref<250x80xi32, #tpu.memory_space<vmem>> -> memref<1x80xi32, #tpu.memory_space<vmem>>
        %dma_start3A_288 = tpu.memref_squeeze %dma_start3A_287 : memref<1x80xi32, #tpu.memory_space<vmem>> -> memref<80xi32, #tpu.memory_space<vmem>>
        %dma_start3A_289 = arith.constant 0 : i32
        %dma_start3A_290 = arith.constant 0 : i32
        %dma_start3A_291 = tpu.memref_slice %arg12[%dma_start3A_289, %dma_start3A_290] : memref<10240x16xf32, #tpu.memory_space<vmem_shared>> -> memref<10240x16xf32, #tpu.memory_space<vmem_shared>>
        tpu.enqueue_indirect_dma source(%arg24 : memref<80x16xf32, #tpu.memory_space<vmem>>) target(%dma_start3A_291 : memref<10240x16xf32, #tpu.memory_space<vmem_shared>>) offsets(%dma_start3A_288 : memref<80xi32, #tpu.memory_space<vmem>>) semaphore(%arg16 : memref<!tpu.dma_semaphore, #tpu.memory_space<semaphore_mem>>) {add = true}
      } else {
      }
      %add3A_162 = arith.constant 4 : i32
      %add3A_163 = arith.addi %mul3A_82, %add3A_162 : i32
      %dma_wait3A_164 = arith.constant 0 : i32
      %dma_wait3A_165 = tpu.memref_slice %arg30[%add3A_163, %dma_wait3A_164] : memref<250x80xi32, #tpu.memory_space<vmem>> -> memref<1x80xi32, #tpu.memory_space<vmem>>
      %dma_wait3A_166 = tpu.memref_squeeze %dma_wait3A_165 : memref<1x80xi32, #tpu.memory_space<vmem>> -> memref<80xi32, #tpu.memory_space<vmem>>
      %dma_wait3A_167 = arith.constant 0 : i32
      %dma_wait3A_168 = arith.constant 0 : i32
      %dma_wait3A_169 = tpu.memref_slice %arg2[%dma_wait3A_167, %dma_wait3A_168] : memref<20000x64xf32, #tpu.memory_space<hbm>> -> memref<20000x64xf32, #tpu.memory_space<hbm>>
      tpu.wait_indirect_dma semaphore(%arg23 : memref<!tpu.dma_semaphore, #tpu.memory_space<semaphore_mem>>) src(%dma_wait3A_169 : memref<20000x64xf32, #tpu.memory_space<hbm>>) dst(%arg29 : memref<80x64xf32, #tpu.memory_space<vmem>>)
      %dma_start3A_170 = arith.constant 0 : i32
      %dma_start3A_171 = tpu.memref_slice %arg18[%add3A_163, %dma_start3A_170] : memref<250x80xi32, #tpu.memory_space<vmem>> -> memref<1x80xi32, #tpu.memory_space<vmem>>
      %dma_start3A_172 = tpu.memref_squeeze %dma_start3A_171 : memref<1x80xi32, #tpu.memory_space<vmem>> -> memref<80xi32, #tpu.memory_space<vmem>>
      %dma_start3A_173 = arith.constant 0 : i32
      %dma_start3A_174 = arith.constant 0 : i32
      %dma_start3A_175 = tpu.memref_slice %arg11[%dma_start3A_173, %dma_start3A_174] : memref<10240x64xf32, #tpu.memory_space<vmem_shared>> -> memref<10240x64xf32, #tpu.memory_space<vmem_shared>>
      tpu.enqueue_indirect_dma source(%arg29 : memref<80x64xf32, #tpu.memory_space<vmem>>) target(%dma_start3A_175 : memref<10240x64xf32, #tpu.memory_space<vmem_shared>>) offsets(%dma_start3A_172 : memref<80xi32, #tpu.memory_space<vmem>>) semaphore(%arg35 : memref<!tpu.dma_semaphore, #tpu.memory_space<semaphore_mem>>) {add = true}
      %rem3A_176 = arith.constant 2 : i32
      %rem3A_177 = arith.remsi %add3A_163, %rem3A_176 : i32
      %eq3A_178 = arith.cmpi eq, %arg0, %rem3A_177 : i32
      %convert_element_type3A_179 = arith.extui %eq3A_178 : i1 to i32
      %cond3A_180 = arith.constant 0 : i32
      %cond3A_181 = arith.cmpi ne, %convert_element_type3A_179, %cond3A_180 : i32
      scf.if %cond3A_181 {
        %dma_start3A_286 = arith.constant 0 : i32
        %dma_start3A_287 = tpu.memref_slice %arg18[%add3A_163, %dma_start3A_286] : memref<250x80xi32, #tpu.memory_space<vmem>> -> memref<1x80xi32, #tpu.memory_space<vmem>>
        %dma_start3A_288 = tpu.memref_squeeze %dma_start3A_287 : memref<1x80xi32, #tpu.memory_space<vmem>> -> memref<80xi32, #tpu.memory_space<vmem>>
        %dma_start3A_289 = arith.constant 0 : i32
        %dma_start3A_290 = arith.constant 0 : i32
        %dma_start3A_291 = tpu.memref_slice %arg12[%dma_start3A_289, %dma_start3A_290] : memref<10240x16xf32, #tpu.memory_space<vmem_shared>> -> memref<10240x16xf32, #tpu.memory_space<vmem_shared>>
        tpu.enqueue_indirect_dma source(%arg24 : memref<80x16xf32, #tpu.memory_space<vmem>>) target(%dma_start3A_291 : memref<10240x16xf32, #tpu.memory_space<vmem_shared>>) offsets(%dma_start3A_288 : memref<80xi32, #tpu.memory_space<vmem>>) semaphore(%arg17 : memref<!tpu.dma_semaphore, #tpu.memory_space<semaphore_mem>>) {add = true}
      } else {
      }
      %add3A_182 = arith.constant 0 : i32
      %add3A_183 = arith.addi %mul3A_82, %add3A_182 : i32
      %dma_wait3A_184 = arith.constant 0 : i32
      %dma_wait3A_185 = tpu.memref_slice %arg18[%add3A_84, %dma_wait3A_184] : memref<250x80xi32, #tpu.memory_space<vmem>> -> memref<1x80xi32, #tpu.memory_space<vmem>>
      %dma_wait3A_186 = tpu.memref_squeeze %dma_wait3A_185 : memref<1x80xi32, #tpu.memory_space<vmem>> -> memref<80xi32, #tpu.memory_space<vmem>>
      %dma_wait3A_187 = arith.constant 0 : i32
      %dma_wait3A_188 = arith.constant 0 : i32
      %dma_wait3A_189 = tpu.memref_slice %arg11[%dma_wait3A_187, %dma_wait3A_188] : memref<10240x64xf32, #tpu.memory_space<vmem_shared>> -> memref<10240x64xf32, #tpu.memory_space<vmem_shared>>
      tpu.wait_indirect_dma semaphore(%arg31 : memref<!tpu.dma_semaphore, #tpu.memory_space<semaphore_mem>>) src(%arg25 : memref<80x64xf32, #tpu.memory_space<vmem>>) dst(%dma_wait3A_189 : memref<10240x64xf32, #tpu.memory_space<vmem_shared>>)
      %rem3A_190 = arith.constant 2 : i32
      %rem3A_191 = arith.remsi %add3A_183, %rem3A_190 : i32
      %eq3A_192 = arith.cmpi eq, %arg0, %rem3A_191 : i32
      %convert_element_type3A_193 = arith.extui %eq3A_192 : i1 to i32
      %cond3A_194 = arith.constant 0 : i32
      %cond3A_195 = arith.cmpi ne, %convert_element_type3A_193, %cond3A_194 : i32
      scf.if %cond3A_195 {
        %dma_wait3A_286 = arith.constant 0 : i32
        %dma_wait3A_287 = tpu.memref_slice %arg18[%add3A_183, %dma_wait3A_286] : memref<250x80xi32, #tpu.memory_space<vmem>> -> memref<1x80xi32, #tpu.memory_space<vmem>>
        %dma_wait3A_288 = tpu.memref_squeeze %dma_wait3A_287 : memref<1x80xi32, #tpu.memory_space<vmem>> -> memref<80xi32, #tpu.memory_space<vmem>>
        %dma_wait3A_289 = arith.constant 0 : i32
        %dma_wait3A_290 = arith.constant 0 : i32
        %dma_wait3A_291 = tpu.memref_slice %arg12[%dma_wait3A_289, %dma_wait3A_290] : memref<10240x16xf32, #tpu.memory_space<vmem_shared>> -> memref<10240x16xf32, #tpu.memory_space<vmem_shared>>
        tpu.wait_indirect_dma semaphore(%arg13 : memref<!tpu.dma_semaphore, #tpu.memory_space<semaphore_mem>>) src(%arg24 : memref<80x16xf32, #tpu.memory_space<vmem>>) dst(%dma_wait3A_291 : memref<10240x16xf32, #tpu.memory_space<vmem_shared>>)
      } else {
      }
      %add3A_196 = arith.constant 5 : i32
      %add3A_197 = arith.addi %add3A_183, %add3A_196 : i32
      %lt3A = arith.constant 250 : i32
      %lt3A_198 = arith.cmpi slt, %add3A_197, %lt3A : i32
      %convert_element_type3A_199 = arith.extui %lt3A_198 : i1 to i32
      %cond3A_200 = arith.constant 0 : i32
      %cond3A_201 = arith.cmpi ne, %convert_element_type3A_199, %cond3A_200 : i32
      scf.if %cond3A_201 {
        %add3A_286 = arith.constant 5 : i32
        %add3A_287 = arith.addi %add3A_183, %add3A_286 : i32
        %dma_start3A_288 = arith.constant 0 : i32
        %dma_start3A_289 = tpu.memref_slice %arg30[%add3A_287, %dma_start3A_288] : memref<250x80xi32, #tpu.memory_space<vmem>> -> memref<1x80xi32, #tpu.memory_space<vmem>>
        %dma_start3A_290 = tpu.memref_squeeze %dma_start3A_289 : memref<1x80xi32, #tpu.memory_space<vmem>> -> memref<80xi32, #tpu.memory_space<vmem>>
        %dma_start3A_291 = arith.constant 0 : i32
        %dma_start3A_292 = arith.constant 0 : i32
        %dma_start3A_293 = tpu.memref_slice %arg2[%dma_start3A_291, %dma_start3A_292] : memref<20000x64xf32, #tpu.memory_space<hbm>> -> memref<20000x64xf32, #tpu.memory_space<hbm>>
        tpu.enqueue_indirect_dma source(%dma_start3A_293 : memref<20000x64xf32, #tpu.memory_space<hbm>>) target(%arg25 : memref<80x64xf32, #tpu.memory_space<vmem>>) offsets(%dma_start3A_290 : memref<80xi32, #tpu.memory_space<vmem>>) semaphore(%arg19 : memref<!tpu.dma_semaphore, #tpu.memory_space<semaphore_mem>>)
      } else {
      }
      %add3A_202 = arith.constant 1 : i32
      %add3A_203 = arith.addi %mul3A_82, %add3A_202 : i32
      %dma_wait3A_204 = arith.constant 0 : i32
      %dma_wait3A_205 = tpu.memref_slice %arg18[%add3A_103, %dma_wait3A_204] : memref<250x80xi32, #tpu.memory_space<vmem>> -> memref<1x80xi32, #tpu.memory_space<vmem>>
      %dma_wait3A_206 = tpu.memref_squeeze %dma_wait3A_205 : memref<1x80xi32, #tpu.memory_space<vmem>> -> memref<80xi32, #tpu.memory_space<vmem>>
      %dma_wait3A_207 = arith.constant 0 : i32
      %dma_wait3A_208 = arith.constant 0 : i32
      %dma_wait3A_209 = tpu.memref_slice %arg11[%dma_wait3A_207, %dma_wait3A_208] : memref<10240x64xf32, #tpu.memory_space<vmem_shared>> -> memref<10240x64xf32, #tpu.memory_space<vmem_shared>>
      tpu.wait_indirect_dma semaphore(%arg32 : memref<!tpu.dma_semaphore, #tpu.memory_space<semaphore_mem>>) src(%arg26 : memref<80x64xf32, #tpu.memory_space<vmem>>) dst(%dma_wait3A_209 : memref<10240x64xf32, #tpu.memory_space<vmem_shared>>)
      %rem3A_210 = arith.constant 2 : i32
      %rem3A_211 = arith.remsi %add3A_203, %rem3A_210 : i32
      %eq3A_212 = arith.cmpi eq, %arg0, %rem3A_211 : i32
      %convert_element_type3A_213 = arith.extui %eq3A_212 : i1 to i32
      %cond3A_214 = arith.constant 0 : i32
      %cond3A_215 = arith.cmpi ne, %convert_element_type3A_213, %cond3A_214 : i32
      scf.if %cond3A_215 {
        %dma_wait3A_286 = arith.constant 0 : i32
        %dma_wait3A_287 = tpu.memref_slice %arg18[%add3A_203, %dma_wait3A_286] : memref<250x80xi32, #tpu.memory_space<vmem>> -> memref<1x80xi32, #tpu.memory_space<vmem>>
        %dma_wait3A_288 = tpu.memref_squeeze %dma_wait3A_287 : memref<1x80xi32, #tpu.memory_space<vmem>> -> memref<80xi32, #tpu.memory_space<vmem>>
        %dma_wait3A_289 = arith.constant 0 : i32
        %dma_wait3A_290 = arith.constant 0 : i32
        %dma_wait3A_291 = tpu.memref_slice %arg12[%dma_wait3A_289, %dma_wait3A_290] : memref<10240x16xf32, #tpu.memory_space<vmem_shared>> -> memref<10240x16xf32, #tpu.memory_space<vmem_shared>>
        tpu.wait_indirect_dma semaphore(%arg14 : memref<!tpu.dma_semaphore, #tpu.memory_space<semaphore_mem>>) src(%arg24 : memref<80x16xf32, #tpu.memory_space<vmem>>) dst(%dma_wait3A_291 : memref<10240x16xf32, #tpu.memory_space<vmem_shared>>)
      } else {
      }
      %add3A_216 = arith.constant 5 : i32
      %add3A_217 = arith.addi %add3A_203, %add3A_216 : i32
      %lt3A_218 = arith.constant 250 : i32
      %lt3A_219 = arith.cmpi slt, %add3A_217, %lt3A_218 : i32
      %convert_element_type3A_220 = arith.extui %lt3A_219 : i1 to i32
      %cond3A_221 = arith.constant 0 : i32
      %cond3A_222 = arith.cmpi ne, %convert_element_type3A_220, %cond3A_221 : i32
      scf.if %cond3A_222 {
        %add3A_286 = arith.constant 5 : i32
        %add3A_287 = arith.addi %add3A_203, %add3A_286 : i32
        %dma_start3A_288 = arith.constant 0 : i32
        %dma_start3A_289 = tpu.memref_slice %arg30[%add3A_287, %dma_start3A_288] : memref<250x80xi32, #tpu.memory_space<vmem>> -> memref<1x80xi32, #tpu.memory_space<vmem>>
        %dma_start3A_290 = tpu.memref_squeeze %dma_start3A_289 : memref<1x80xi32, #tpu.memory_space<vmem>> -> memref<80xi32, #tpu.memory_space<vmem>>
        %dma_start3A_291 = arith.constant 0 : i32
        %dma_start3A_292 = arith.constant 0 : i32
        %dma_start3A_293 = tpu.memref_slice %arg2[%dma_start3A_291, %dma_start3A_292] : memref<20000x64xf32, #tpu.memory_space<hbm>> -> memref<20000x64xf32, #tpu.memory_space<hbm>>
        tpu.enqueue_indirect_dma source(%dma_start3A_293 : memref<20000x64xf32, #tpu.memory_space<hbm>>) target(%arg26 : memref<80x64xf32, #tpu.memory_space<vmem>>) offsets(%dma_start3A_290 : memref<80xi32, #tpu.memory_space<vmem>>) semaphore(%arg20 : memref<!tpu.dma_semaphore, #tpu.memory_space<semaphore_mem>>)
      } else {
      }
      %add3A_223 = arith.constant 2 : i32
      %add3A_224 = arith.addi %mul3A_82, %add3A_223 : i32
      %dma_wait3A_225 = arith.constant 0 : i32
      %dma_wait3A_226 = tpu.memref_slice %arg18[%add3A_123, %dma_wait3A_225] : memref<250x80xi32, #tpu.memory_space<vmem>> -> memref<1x80xi32, #tpu.memory_space<vmem>>
      %dma_wait3A_227 = tpu.memref_squeeze %dma_wait3A_226 : memref<1x80xi32, #tpu.memory_space<vmem>> -> memref<80xi32, #tpu.memory_space<vmem>>
      %dma_wait3A_228 = arith.constant 0 : i32
      %dma_wait3A_229 = arith.constant 0 : i32
      %dma_wait3A_230 = tpu.memref_slice %arg11[%dma_wait3A_228, %dma_wait3A_229] : memref<10240x64xf32, #tpu.memory_space<vmem_shared>> -> memref<10240x64xf32, #tpu.memory_space<vmem_shared>>
      tpu.wait_indirect_dma semaphore(%arg33 : memref<!tpu.dma_semaphore, #tpu.memory_space<semaphore_mem>>) src(%arg27 : memref<80x64xf32, #tpu.memory_space<vmem>>) dst(%dma_wait3A_230 : memref<10240x64xf32, #tpu.memory_space<vmem_shared>>)
      %rem3A_231 = arith.constant 2 : i32
      %rem3A_232 = arith.remsi %add3A_224, %rem3A_231 : i32
      %eq3A_233 = arith.cmpi eq, %arg0, %rem3A_232 : i32
      %convert_element_type3A_234 = arith.extui %eq3A_233 : i1 to i32
      %cond3A_235 = arith.constant 0 : i32
      %cond3A_236 = arith.cmpi ne, %convert_element_type3A_234, %cond3A_235 : i32
      scf.if %cond3A_236 {
        %dma_wait3A_286 = arith.constant 0 : i32
        %dma_wait3A_287 = tpu.memref_slice %arg18[%add3A_224, %dma_wait3A_286] : memref<250x80xi32, #tpu.memory_space<vmem>> -> memref<1x80xi32, #tpu.memory_space<vmem>>
        %dma_wait3A_288 = tpu.memref_squeeze %dma_wait3A_287 : memref<1x80xi32, #tpu.memory_space<vmem>> -> memref<80xi32, #tpu.memory_space<vmem>>
        %dma_wait3A_289 = arith.constant 0 : i32
        %dma_wait3A_290 = arith.constant 0 : i32
        %dma_wait3A_291 = tpu.memref_slice %arg12[%dma_wait3A_289, %dma_wait3A_290] : memref<10240x16xf32, #tpu.memory_space<vmem_shared>> -> memref<10240x16xf32, #tpu.memory_space<vmem_shared>>
        tpu.wait_indirect_dma semaphore(%arg15 : memref<!tpu.dma_semaphore, #tpu.memory_space<semaphore_mem>>) src(%arg24 : memref<80x16xf32, #tpu.memory_space<vmem>>) dst(%dma_wait3A_291 : memref<10240x16xf32, #tpu.memory_space<vmem_shared>>)
      } else {
      }
      %add3A_237 = arith.constant 5 : i32
      %add3A_238 = arith.addi %add3A_224, %add3A_237 : i32
      %lt3A_239 = arith.constant 250 : i32
      %lt3A_240 = arith.cmpi slt, %add3A_238, %lt3A_239 : i32
      %convert_element_type3A_241 = arith.extui %lt3A_240 : i1 to i32
      %cond3A_242 = arith.constant 0 : i32
      %cond3A_243 = arith.cmpi ne, %convert_element_type3A_241, %cond3A_242 : i32
      scf.if %cond3A_243 {
        %add3A_286 = arith.constant 5 : i32
        %add3A_287 = arith.addi %add3A_224, %add3A_286 : i32
        %dma_start3A_288 = arith.constant 0 : i32
        %dma_start3A_289 = tpu.memref_slice %arg30[%add3A_287, %dma_start3A_288] : memref<250x80xi32, #tpu.memory_space<vmem>> -> memref<1x80xi32, #tpu.memory_space<vmem>>
        %dma_start3A_290 = tpu.memref_squeeze %dma_start3A_289 : memref<1x80xi32, #tpu.memory_space<vmem>> -> memref<80xi32, #tpu.memory_space<vmem>>
        %dma_start3A_291 = arith.constant 0 : i32
        %dma_start3A_292 = arith.constant 0 : i32
        %dma_start3A_293 = tpu.memref_slice %arg2[%dma_start3A_291, %dma_start3A_292] : memref<20000x64xf32, #tpu.memory_space<hbm>> -> memref<20000x64xf32, #tpu.memory_space<hbm>>
        tpu.enqueue_indirect_dma source(%dma_start3A_293 : memref<20000x64xf32, #tpu.memory_space<hbm>>) target(%arg27 : memref<80x64xf32, #tpu.memory_space<vmem>>) offsets(%dma_start3A_290 : memref<80xi32, #tpu.memory_space<vmem>>) semaphore(%arg21 : memref<!tpu.dma_semaphore, #tpu.memory_space<semaphore_mem>>)
      } else {
      }
      %add3A_244 = arith.constant 3 : i32
      %add3A_245 = arith.addi %mul3A_82, %add3A_244 : i32
      %dma_wait3A_246 = arith.constant 0 : i32
      %dma_wait3A_247 = tpu.memref_slice %arg18[%add3A_143, %dma_wait3A_246] : memref<250x80xi32, #tpu.memory_space<vmem>> -> memref<1x80xi32, #tpu.memory_space<vmem>>
      %dma_wait3A_248 = tpu.memref_squeeze %dma_wait3A_247 : memref<1x80xi32, #tpu.memory_space<vmem>> -> memref<80xi32, #tpu.memory_space<vmem>>
      %dma_wait3A_249 = arith.constant 0 : i32
      %dma_wait3A_250 = arith.constant 0 : i32
      %dma_wait3A_251 = tpu.memref_slice %arg11[%dma_wait3A_249, %dma_wait3A_250] : memref<10240x64xf32, #tpu.memory_space<vmem_shared>> -> memref<10240x64xf32, #tpu.memory_space<vmem_shared>>
      tpu.wait_indirect_dma semaphore(%arg34 : memref<!tpu.dma_semaphore, #tpu.memory_space<semaphore_mem>>) src(%arg28 : memref<80x64xf32, #tpu.memory_space<vmem>>) dst(%dma_wait3A_251 : memref<10240x64xf32, #tpu.memory_space<vmem_shared>>)
      %rem3A_252 = arith.constant 2 : i32
      %rem3A_253 = arith.remsi %add3A_245, %rem3A_252 : i32
      %eq3A_254 = arith.cmpi eq, %arg0, %rem3A_253 : i32
      %convert_element_type3A_255 = arith.extui %eq3A_254 : i1 to i32
      %cond3A_256 = arith.constant 0 : i32
      %cond3A_257 = arith.cmpi ne, %convert_element_type3A_255, %cond3A_256 : i32
      scf.if %cond3A_257 {
        %dma_wait3A_286 = arith.constant 0 : i32
        %dma_wait3A_287 = tpu.memref_slice %arg18[%add3A_245, %dma_wait3A_286] : memref<250x80xi32, #tpu.memory_space<vmem>> -> memref<1x80xi32, #tpu.memory_space<vmem>>
        %dma_wait3A_288 = tpu.memref_squeeze %dma_wait3A_287 : memref<1x80xi32, #tpu.memory_space<vmem>> -> memref<80xi32, #tpu.memory_space<vmem>>
        %dma_wait3A_289 = arith.constant 0 : i32
        %dma_wait3A_290 = arith.constant 0 : i32
        %dma_wait3A_291 = tpu.memref_slice %arg12[%dma_wait3A_289, %dma_wait3A_290] : memref<10240x16xf32, #tpu.memory_space<vmem_shared>> -> memref<10240x16xf32, #tpu.memory_space<vmem_shared>>
        tpu.wait_indirect_dma semaphore(%arg16 : memref<!tpu.dma_semaphore, #tpu.memory_space<semaphore_mem>>) src(%arg24 : memref<80x16xf32, #tpu.memory_space<vmem>>) dst(%dma_wait3A_291 : memref<10240x16xf32, #tpu.memory_space<vmem_shared>>)
      } else {
      }
      %add3A_258 = arith.constant 5 : i32
      %add3A_259 = arith.addi %add3A_245, %add3A_258 : i32
      %lt3A_260 = arith.constant 250 : i32
      %lt3A_261 = arith.cmpi slt, %add3A_259, %lt3A_260 : i32
      %convert_element_type3A_262 = arith.extui %lt3A_261 : i1 to i32
      %cond3A_263 = arith.constant 0 : i32
      %cond3A_264 = arith.cmpi ne, %convert_element_type3A_262, %cond3A_263 : i32
      scf.if %cond3A_264 {
        %add3A_286 = arith.constant 5 : i32
        %add3A_287 = arith.addi %add3A_245, %add3A_286 : i32
        %dma_start3A_288 = arith.constant 0 : i32
        %dma_start3A_289 = tpu.memref_slice %arg30[%add3A_287, %dma_start3A_288] : memref<250x80xi32, #tpu.memory_space<vmem>> -> memref<1x80xi32, #tpu.memory_space<vmem>>
        %dma_start3A_290 = tpu.memref_squeeze %dma_start3A_289 : memref<1x80xi32, #tpu.memory_space<vmem>> -> memref<80xi32, #tpu.memory_space<vmem>>
        %dma_start3A_291 = arith.constant 0 : i32
        %dma_start3A_292 = arith.constant 0 : i32
        %dma_start3A_293 = tpu.memref_slice %arg2[%dma_start3A_291, %dma_start3A_292] : memref<20000x64xf32, #tpu.memory_space<hbm>> -> memref<20000x64xf32, #tpu.memory_space<hbm>>
        tpu.enqueue_indirect_dma source(%dma_start3A_293 : memref<20000x64xf32, #tpu.memory_space<hbm>>) target(%arg28 : memref<80x64xf32, #tpu.memory_space<vmem>>) offsets(%dma_start3A_290 : memref<80xi32, #tpu.memory_space<vmem>>) semaphore(%arg22 : memref<!tpu.dma_semaphore, #tpu.memory_space<semaphore_mem>>)
      } else {
      }
      %add3A_265 = arith.constant 4 : i32
      %add3A_266 = arith.addi %mul3A_82, %add3A_265 : i32
      %dma_wait3A_267 = arith.constant 0 : i32
      %dma_wait3A_268 = tpu.memref_slice %arg18[%add3A_163, %dma_wait3A_267] : memref<250x80xi32, #tpu.memory_space<vmem>> -> memref<1x80xi32, #tpu.memory_space<vmem>>
      %dma_wait3A_269 = tpu.memref_squeeze %dma_wait3A_268 : memref<1x80xi32, #tpu.memory_space<vmem>> -> memref<80xi32, #tpu.memory_space<vmem>>
      %dma_wait3A_270 = arith.constant 0 : i32
      %dma_wait3A_271 = arith.constant 0 : i32
      %dma_wait3A_272 = tpu.memref_slice %arg11[%dma_wait3A_270, %dma_wait3A_271] : memref<10240x64xf32, #tpu.memory_space<vmem_shared>> -> memref<10240x64xf32, #tpu.memory_space<vmem_shared>>
      tpu.wait_indirect_dma semaphore(%arg35 : memref<!tpu.dma_semaphore, #tpu.memory_space<semaphore_mem>>) src(%arg29 : memref<80x64xf32, #tpu.memory_space<vmem>>) dst(%dma_wait3A_272 : memref<10240x64xf32, #tpu.memory_space<vmem_shared>>)
      %rem3A_273 = arith.constant 2 : i32
      %rem3A_274 = arith.remsi %add3A_266, %rem3A_273 : i32
      %eq3A_275 = arith.cmpi eq, %arg0, %rem3A_274 : i32
      %convert_element_type3A_276 = arith.extui %eq3A_275 : i1 to i32
      %cond3A_277 = arith.constant 0 : i32
      %cond3A_278 = arith.cmpi ne, %convert_element_type3A_276, %cond3A_277 : i32
      scf.if %cond3A_278 {
        %dma_wait3A_286 = arith.constant 0 : i32
        %dma_wait3A_287 = tpu.memref_slice %arg18[%add3A_266, %dma_wait3A_286] : memref<250x80xi32, #tpu.memory_space<vmem>> -> memref<1x80xi32, #tpu.memory_space<vmem>>
        %dma_wait3A_288 = tpu.memref_squeeze %dma_wait3A_287 : memref<1x80xi32, #tpu.memory_space<vmem>> -> memref<80xi32, #tpu.memory_space<vmem>>
        %dma_wait3A_289 = arith.constant 0 : i32
        %dma_wait3A_290 = arith.constant 0 : i32
        %dma_wait3A_291 = tpu.memref_slice %arg12[%dma_wait3A_289, %dma_wait3A_290] : memref<10240x16xf32, #tpu.memory_space<vmem_shared>> -> memref<10240x16xf32, #tpu.memory_space<vmem_shared>>
        tpu.wait_indirect_dma semaphore(%arg17 : memref<!tpu.dma_semaphore, #tpu.memory_space<semaphore_mem>>) src(%arg24 : memref<80x16xf32, #tpu.memory_space<vmem>>) dst(%dma_wait3A_291 : memref<10240x16xf32, #tpu.memory_space<vmem_shared>>)
      } else {
      }
      %add3A_279 = arith.constant 5 : i32
      %add3A_280 = arith.addi %add3A_266, %add3A_279 : i32
      %lt3A_281 = arith.constant 250 : i32
      %lt3A_282 = arith.cmpi slt, %add3A_280, %lt3A_281 : i32
      %convert_element_type3A_283 = arith.extui %lt3A_282 : i1 to i32
      %cond3A_284 = arith.constant 0 : i32
      %cond3A_285 = arith.cmpi ne, %convert_element_type3A_283, %cond3A_284 : i32
      scf.if %cond3A_285 {
        %add3A_286 = arith.constant 5 : i32
        %add3A_287 = arith.addi %add3A_266, %add3A_286 : i32
        %dma_start3A_288 = arith.constant 0 : i32
        %dma_start3A_289 = tpu.memref_slice %arg30[%add3A_287, %dma_start3A_288] : memref<250x80xi32, #tpu.memory_space<vmem>> -> memref<1x80xi32, #tpu.memory_space<vmem>>
        %dma_start3A_290 = tpu.memref_squeeze %dma_start3A_289 : memref<1x80xi32, #tpu.memory_space<vmem>> -> memref<80xi32, #tpu.memory_space<vmem>>
        %dma_start3A_291 = arith.constant 0 : i32
        %dma_start3A_292 = arith.constant 0 : i32
        %dma_start3A_293 = tpu.memref_slice %arg2[%dma_start3A_291, %dma_start3A_292] : memref<20000x64xf32, #tpu.memory_space<hbm>> -> memref<20000x64xf32, #tpu.memory_space<hbm>>
        tpu.enqueue_indirect_dma source(%dma_start3A_293 : memref<20000x64xf32, #tpu.memory_space<hbm>>) target(%arg29 : memref<80x64xf32, #tpu.memory_space<vmem>>) offsets(%dma_start3A_290 : memref<80xi32, #tpu.memory_space<vmem>>) semaphore(%arg23 : memref<!tpu.dma_semaphore, #tpu.memory_space<semaphore_mem>>)
      } else {
      }
    }
    %scan3A_68 = arith.constant 50 : i32
    %barrier3A_69 = arith.constant 0 : index
    tpu.barrier barrier_id(%barrier3A_69)
    %mul3A_70 = arith.constant 10240 : i32
    %mul3A_71 = arith.muli %arg0, %mul3A_70 : i32
    %add3A_72 = arith.addi %mul3A_71, %mul3A_0 : i32
    "tpu.region"() ({
      %run_scoped3A = tpu.sem_alloc : memref<!tpu.dma_semaphore, #tpu.memory_space<semaphore_mem>>
      %dma_start3A_80 = arith.constant 0 : i32
      %dma_start3A_81 = tpu.memref_slice %arg8[%add3A_72, %dma_start3A_80] : memref<20480x64xf32, #tpu.memory_space<hbm>> -> memref<640x64xf32, #tpu.memory_space<hbm>>
      %dma_start3A_82 = arith.constant 0 : i32
      %dma_start3A_83 = tpu.memref_slice %arg11[%mul3A_0, %dma_start3A_82] : memref<10240x64xf32, #tpu.memory_space<vmem_shared>> -> memref<640x64xf32, #tpu.memory_space<vmem_shared>>
      tpu.enqueue_dma source(%dma_start3A_83 : memref<640x64xf32, #tpu.memory_space<vmem_shared>>) target(%dma_start3A_81 : memref<640x64xf32, #tpu.memory_space<hbm>>) target_semaphore(%run_scoped3A : memref<!tpu.dma_semaphore, #tpu.memory_space<semaphore_mem>>)
      %dma_wait3A_84 = arith.constant 0 : i32
      %dma_wait3A_85 = tpu.memref_slice %arg8[%add3A_72, %dma_wait3A_84] : memref<20480x64xf32, #tpu.memory_space<hbm>> -> memref<640x64xf32, #tpu.memory_space<hbm>>
      %dma_wait3A_86 = arith.constant 0 : i32
      %dma_wait3A_87 = tpu.memref_slice %arg11[%mul3A_0, %dma_wait3A_86] : memref<10240x64xf32, #tpu.memory_space<vmem_shared>> -> memref<640x64xf32, #tpu.memory_space<vmem_shared>>
      tpu.wait_dma2 semaphore(%run_scoped3A : memref<!tpu.dma_semaphore, #tpu.memory_space<semaphore_mem>>) src(%dma_wait3A_87 : memref<640x64xf32, #tpu.memory_space<vmem_shared>>) dst(%dma_wait3A_85 : memref<640x64xf32, #tpu.memory_space<hbm>>)
      tpu.yield
    }) : () -> ()
    %eq3A = arith.constant 0 : i32
    %eq3A_73 = arith.cmpi eq, %arg0, %eq3A : i32
    %convert_element_type3A = arith.extui %eq3A_73 : i1 to i32
    %cond3A = arith.constant 0 : i32
    %cond3A_74 = arith.cmpi ne, %convert_element_type3A, %cond3A : i32
    scf.if %cond3A_74 {
      "tpu.region"() ({
        %run_scoped3A = tpu.sem_alloc : memref<!tpu.dma_semaphore, #tpu.memory_space<semaphore_mem>>
        %dma_start3A_80 = arith.constant 0 : i32
        %dma_start3A_81 = tpu.memref_slice %arg9[%mul3A_0, %dma_start3A_80] : memref<10240x16xf32, #tpu.memory_space<hbm>> -> memref<640x16xf32, #tpu.memory_space<hbm>>
        %dma_start3A_82 = arith.constant 0 : i32
        %dma_start3A_83 = tpu.memref_slice %arg12[%mul3A_0, %dma_start3A_82] : memref<10240x16xf32, #tpu.memory_space<vmem_shared>> -> memref<640x16xf32, #tpu.memory_space<vmem_shared>>
        tpu.enqueue_dma source(%dma_start3A_83 : memref<640x16xf32, #tpu.memory_space<vmem_shared>>) target(%dma_start3A_81 : memref<640x16xf32, #tpu.memory_space<hbm>>) target_semaphore(%run_scoped3A : memref<!tpu.dma_semaphore, #tpu.memory_space<semaphore_mem>>)
        %dma_wait3A_84 = arith.constant 0 : i32
        %dma_wait3A_85 = tpu.memref_slice %arg9[%mul3A_0, %dma_wait3A_84] : memref<10240x16xf32, #tpu.memory_space<hbm>> -> memref<640x16xf32, #tpu.memory_space<hbm>>
        %dma_wait3A_86 = arith.constant 0 : i32
        %dma_wait3A_87 = tpu.memref_slice %arg12[%mul3A_0, %dma_wait3A_86] : memref<10240x16xf32, #tpu.memory_space<vmem_shared>> -> memref<640x16xf32, #tpu.memory_space<vmem_shared>>
        tpu.wait_dma2 semaphore(%run_scoped3A : memref<!tpu.dma_semaphore, #tpu.memory_space<semaphore_mem>>) src(%dma_wait3A_87 : memref<640x16xf32, #tpu.memory_space<vmem_shared>>) dst(%dma_wait3A_85 : memref<640x16xf32, #tpu.memory_space<hbm>>)
        tpu.yield
      }) : () -> ()
    } else {
    }
    %eq3A_75 = arith.constant 1 : i32
    %eq3A_76 = arith.cmpi eq, %arg0, %eq3A_75 : i32
    %convert_element_type3A_77 = arith.extui %eq3A_76 : i1 to i32
    %cond3A_78 = arith.constant 0 : i32
    %cond3A_79 = arith.cmpi ne, %convert_element_type3A_77, %cond3A_78 : i32
    scf.if %cond3A_79 {
      "tpu.region"() ({
        %run_scoped3A = tpu.sem_alloc : memref<!tpu.dma_semaphore, #tpu.memory_space<semaphore_mem>>
        %dma_start3A_80 = arith.constant 0 : i32
        %dma_start3A_81 = tpu.memref_slice %arg10[%mul3A_0, %dma_start3A_80] : memref<10240x16xf32, #tpu.memory_space<hbm>> -> memref<640x16xf32, #tpu.memory_space<hbm>>
        %dma_start3A_82 = arith.constant 0 : i32
        %dma_start3A_83 = tpu.memref_slice %arg12[%mul3A_0, %dma_start3A_82] : memref<10240x16xf32, #tpu.memory_space<vmem_shared>> -> memref<640x16xf32, #tpu.memory_space<vmem_shared>>
        tpu.enqueue_dma source(%dma_start3A_83 : memref<640x16xf32, #tpu.memory_space<vmem_shared>>) target(%dma_start3A_81 : memref<640x16xf32, #tpu.memory_space<hbm>>) target_semaphore(%run_scoped3A : memref<!tpu.dma_semaphore, #tpu.memory_space<semaphore_mem>>)
        %dma_wait3A_84 = arith.constant 0 : i32
        %dma_wait3A_85 = tpu.memref_slice %arg10[%mul3A_0, %dma_wait3A_84] : memref<10240x16xf32, #tpu.memory_space<hbm>> -> memref<640x16xf32, #tpu.memory_space<hbm>>
        %dma_wait3A_86 = arith.constant 0 : i32
        %dma_wait3A_87 = tpu.memref_slice %arg12[%mul3A_0, %dma_wait3A_86] : memref<10240x16xf32, #tpu.memory_space<vmem_shared>> -> memref<640x16xf32, #tpu.memory_space<vmem_shared>>
        tpu.wait_dma2 semaphore(%run_scoped3A : memref<!tpu.dma_semaphore, #tpu.memory_space<semaphore_mem>>) src(%dma_wait3A_87 : memref<640x16xf32, #tpu.memory_space<vmem_shared>>) dst(%dma_wait3A_85 : memref<640x16xf32, #tpu.memory_space<hbm>>)
        tpu.yield
      }) : () -> ()
    } else {
    }
    return
  }
}

module attributes {stable_mosaic.version = 14 : i64} {
  func.func @_dense_body(%arg0: i32, %arg1: memref<2560x64xf32, #tpu.memory_space<vmem>>, %arg2: memref<2560x64xf32, #tpu.memory_space<vmem>>, %arg3: memref<2560x16xf32, #tpu.memory_space<vmem>>, %arg4: memref<2560x16xf32, #tpu.memory_space<vmem>>, %arg5: memref<2560x128xf32, #tpu.memory_space<vmem>>, %arg6: memref<128x128xf32, #tpu.memory_space<vmem>>, %arg7: memref<1x128xf32, #tpu.memory_space<vmem>>, %arg8: memref<128x128xf32, #tpu.memory_space<vmem>>, %arg9: memref<1x128xf32, #tpu.memory_space<vmem>>, %arg10: memref<1x128xf32, #tpu.memory_space<vmem>>, %arg11: memref<2560x128xf32, #tpu.memory_space<vmem>>) attributes {dimension_semantics = [#tpu.dimension_semantics<arbitrary>], iteration_bounds = array<i64: 4>, scalar_prefetch = 0 : i64, scratch_operands = 0 : i64, tpu.core_type = #tpu.core_type<tc>, window_params = [{transform_indices = @transform_0, window_bounds = array<i64: 2560, 64>}, {transform_indices = @transform_1, window_bounds = array<i64: 2560, 64>}, {transform_indices = @transform_2, window_bounds = array<i64: 2560, 16>}, {transform_indices = @transform_3, window_bounds = array<i64: 2560, 16>}, {transform_indices = @transform_4, window_bounds = array<i64: 2560, 128>}, {pipeline_mode = #tpu.pipeline_mode<synchronous>, transform_indices = @transform_5, window_bounds = array<i64: 128, 128>}, {pipeline_mode = #tpu.pipeline_mode<synchronous>, transform_indices = @transform_6, window_bounds = array<i64: 1, 128>}, {pipeline_mode = #tpu.pipeline_mode<synchronous>, transform_indices = @transform_7, window_bounds = array<i64: 128, 128>}, {pipeline_mode = #tpu.pipeline_mode<synchronous>, transform_indices = @transform_8, window_bounds = array<i64: 1, 128>}, {pipeline_mode = #tpu.pipeline_mode<synchronous>, transform_indices = @transform_9, window_bounds = array<i64: 1, 128>}, {transform_indices = @transform_10, window_bounds = array<i64: 2560, 128>}]} {
    %get3A = arith.constant 0 : index
    %get3A_0 = arith.constant 0 : index
    %get3A_1 = vector.load %arg3[%get3A, %get3A_0] : memref<2560x16xf32, #tpu.memory_space<vmem>>, vector<2560x1xf32>
    %get3A_2 = arith.constant 0 : index
    %get3A_3 = arith.constant 0 : index
    %get3A_4 = vector.load %arg4[%get3A_2, %get3A_3] : memref<2560x16xf32, #tpu.memory_space<vmem>>, vector<2560x1xf32>
    %add3A = arith.addf %get3A_1, %get3A_4 : vector<2560x1xf32>
    %max3A = arith.constant 1.000000e+00 : f32
    %max3A_5 = vector.broadcast %max3A : f32 to vector<2560x1xf32>
    %max3A_6 = arith.maximumf %add3A, %max3A_5 : vector<2560x1xf32>
    %get3A_7 = arith.constant 0 : index
    %get3A_8 = arith.constant 0 : index
    %get3A_9 = vector.load %arg1[%get3A_7, %get3A_8] : memref<2560x64xf32, #tpu.memory_space<vmem>>, vector<2560x64xf32>
    %div3A = vector.broadcast %max3A_6 : vector<2560x1xf32> to vector<2560x64xf32>
    %div3A_10 = arith.divf %get3A_9, %div3A : vector<2560x64xf32>
    %get3A_11 = arith.constant 0 : index
    %get3A_12 = arith.constant 0 : index
    %get3A_13 = vector.load %arg2[%get3A_11, %get3A_12] : memref<2560x64xf32, #tpu.memory_space<vmem>>, vector<2560x64xf32>
    %div3A_14 = vector.broadcast %max3A_6 : vector<2560x1xf32> to vector<2560x64xf32>
    %div3A_15 = arith.divf %get3A_13, %div3A_14 : vector<2560x64xf32>
    %get3A_16 = arith.constant 0 : index
    %get3A_17 = arith.constant 0 : index
    %get3A_18 = vector.load %arg6[%get3A_16, %get3A_17] : memref<128x128xf32, #tpu.memory_space<vmem>>, vector<64x128xf32>
    %dot_general3A = arith.constant dense<0.000000e+00> : vector<2560x128xf32>
    %dot_general3A_19 = tpu.matmul %div3A_10, %get3A_18, %dot_general3A {dimension_numbers = #tpu.dot_dimension_numbers<[1], [0], [0], [1], [0, 0, 1, 1], [], []>, transpose_lhs_hint = false} : vector<2560x64xf32>, vector<64x128xf32>, vector<2560x128xf32> -> vector<2560x128xf32>
    %get3A_20 = arith.constant 64 : index
    %get3A_21 = arith.constant 0 : index
    %get3A_22 = vector.load %arg6[%get3A_20, %get3A_21] : memref<128x128xf32, #tpu.memory_space<vmem>>, vector<64x128xf32>
    %dot_general3A_23 = arith.constant dense<0.000000e+00> : vector<2560x128xf32>
    %dot_general3A_24 = tpu.matmul %div3A_15, %get3A_22, %dot_general3A_23 {dimension_numbers = #tpu.dot_dimension_numbers<[1], [0], [0], [1], [0, 0, 1, 1], [], []>, transpose_lhs_hint = false} : vector<2560x64xf32>, vector<64x128xf32>, vector<2560x128xf32> -> vector<2560x128xf32>
    %add3A_25 = arith.addf %dot_general3A_19, %dot_general3A_24 : vector<2560x128xf32>
    %get3A_26 = arith.constant 0 : index
    %get3A_27 = arith.constant 0 : index
    %get3A_28 = vector.load %arg7[%get3A_26, %get3A_27] : memref<1x128xf32, #tpu.memory_space<vmem>>, vector<1x128xf32>
    %add3A_29 = vector.broadcast %get3A_28 : vector<1x128xf32> to vector<2560x128xf32>
    %add3A_30 = arith.addf %add3A_25, %add3A_29 : vector<2560x128xf32>
    %get3A_31 = arith.constant 0 : index
    %get3A_32 = arith.constant 0 : index
    %get3A_33 = vector.load %arg5[%get3A_31, %get3A_32] : memref<2560x128xf32, #tpu.memory_space<vmem>>, vector<2560x128xf32>
    %get3A_34 = arith.constant 0 : index
    %get3A_35 = arith.constant 0 : index
    %get3A_36 = vector.load %arg8[%get3A_34, %get3A_35] : memref<128x128xf32, #tpu.memory_space<vmem>>, vector<128x128xf32>
    %dot_general3A_37 = arith.constant dense<0.000000e+00> : vector<2560x128xf32>
    %dot_general3A_38 = tpu.matmul %get3A_33, %get3A_36, %dot_general3A_37 {dimension_numbers = #tpu.dot_dimension_numbers<[1], [0], [0], [1], [0, 0, 1, 1], [], []>, transpose_lhs_hint = false} : vector<2560x128xf32>, vector<128x128xf32>, vector<2560x128xf32> -> vector<2560x128xf32>
    %add3A_39 = arith.addf %add3A_30, %dot_general3A_38 : vector<2560x128xf32>
    %mul3A = arith.mulf %add3A_39, %add3A_39 : vector<2560x128xf32>
    %reduce_sum3A = arith.constant dense<0.000000e+00> : vector<2560xf32>
    %reduce_sum3A_40 = vector.multi_reduction <add>, %mul3A, %reduce_sum3A [1] : vector<2560x128xf32> to vector<2560xf32>
    %broadcast_in_dim3A = vector.shape_cast %reduce_sum3A_40 : vector<2560xf32> to vector<2560x1xf32>
    %sqrt3A = math.sqrt %broadcast_in_dim3A : vector<2560x1xf32>
    %max3A_41 = arith.constant 9.99999996E-13 : f32
    %max3A_42 = vector.broadcast %max3A_41 : f32 to vector<2560x1xf32>
    %max3A_43 = arith.maximumf %sqrt3A, %max3A_42 : vector<2560x1xf32>
    %div3A_44 = vector.broadcast %max3A_43 : vector<2560x1xf32> to vector<2560x128xf32>
    %div3A_45 = arith.divf %add3A_39, %div3A_44 : vector<2560x128xf32>
    %get3A_46 = arith.constant 0 : index
    %get3A_47 = arith.constant 0 : index
    %get3A_48 = vector.load %arg9[%get3A_46, %get3A_47] : memref<1x128xf32, #tpu.memory_space<vmem>>, vector<1x128xf32>
    %mul3A_49 = vector.broadcast %get3A_48 : vector<1x128xf32> to vector<2560x128xf32>
    %mul3A_50 = arith.mulf %div3A_45, %mul3A_49 : vector<2560x128xf32>
    %get3A_51 = arith.constant 0 : index
    %get3A_52 = arith.constant 0 : index
    %get3A_53 = vector.load %arg10[%get3A_51, %get3A_52] : memref<1x128xf32, #tpu.memory_space<vmem>>, vector<1x128xf32>
    %add3A_54 = vector.broadcast %get3A_53 : vector<1x128xf32> to vector<2560x128xf32>
    %add3A_55 = arith.addf %mul3A_50, %add3A_54 : vector<2560x128xf32>
    %max3A_56 = arith.constant 0.000000e+00 : f32
    %max3A_57 = vector.broadcast %max3A_56 : f32 to vector<2560x128xf32>
    %max3A_58 = arith.maximumf %add3A_55, %max3A_57 : vector<2560x128xf32>
    %swap3A = arith.constant 0 : index
    %swap3A_59 = arith.constant 0 : index
    %swap3A_60 = vector.load %arg11[%swap3A, %swap3A_59] : memref<2560x128xf32, #tpu.memory_space<vmem>>, vector<2560x128xf32>
    tpu.vector_store %arg11[%swap3A, %swap3A_59], %max3A_58 {strides = array<i32>} : memref<2560x128xf32, #tpu.memory_space<vmem>>, vector<2560x128xf32>,
    return
  }
  func.func @transform_0(%arg0: i32) -> (i32, i32) {
    %c0_i32 = arith.constant 0 : i32
    %c0_i32_0 = arith.constant 0 : i32
    return %arg0, %c0_i32 : i32, i32
  }
  func.func @transform_1(%arg0: i32) -> (i32, i32) {
    %add3A = arith.constant 4 : i32
    %add3A_0 = arith.addi %arg0, %add3A : i32
    %c0_i32 = arith.constant 0 : i32
    %c0_i32_1 = arith.constant 0 : i32
    return %add3A_0, %c0_i32 : i32, i32
  }
  func.func @transform_2(%arg0: i32) -> (i32, i32) {
    %c0_i32 = arith.constant 0 : i32
    %c0_i32_0 = arith.constant 0 : i32
    return %arg0, %c0_i32 : i32, i32
  }
  func.func @transform_3(%arg0: i32) -> (i32, i32) {
    %c0_i32 = arith.constant 0 : i32
    %c0_i32_0 = arith.constant 0 : i32
    return %arg0, %c0_i32 : i32, i32
  }
  func.func @transform_4(%arg0: i32) -> (i32, i32) {
    %c0_i32 = arith.constant 0 : i32
    %c0_i32_0 = arith.constant 0 : i32
    return %arg0, %c0_i32 : i32, i32
  }
  func.func @transform_5(%arg0: i32) -> (i32, i32) {
    %c0_i32 = arith.constant 0 : i32
    %c0_i32_0 = arith.constant 0 : i32
    %c0_i32_1 = arith.constant 0 : i32
    return %c0_i32, %c0_i32_0 : i32, i32
  }
  func.func @transform_6(%arg0: i32) -> (i32, i32) {
    %c0_i32 = arith.constant 0 : i32
    %c0_i32_0 = arith.constant 0 : i32
    %c0_i32_1 = arith.constant 0 : i32
    return %c0_i32, %c0_i32_0 : i32, i32
  }
  func.func @transform_7(%arg0: i32) -> (i32, i32) {
    %c0_i32 = arith.constant 0 : i32
    %c0_i32_0 = arith.constant 0 : i32
    %c0_i32_1 = arith.constant 0 : i32
    return %c0_i32, %c0_i32_0 : i32, i32
  }
  func.func @transform_8(%arg0: i32) -> (i32, i32) {
    %c0_i32 = arith.constant 0 : i32
    %c0_i32_0 = arith.constant 0 : i32
    %c0_i32_1 = arith.constant 0 : i32
    return %c0_i32, %c0_i32_0 : i32, i32
  }
  func.func @transform_9(%arg0: i32) -> (i32, i32) {
    %c0_i32 = arith.constant 0 : i32
    %c0_i32_0 = arith.constant 0 : i32
    %c0_i32_1 = arith.constant 0 : i32
    return %c0_i32, %c0_i32_0 : i32, i32
  }
  func.func @transform_10(%arg0: i32) -> (i32, i32) {
    %c0_i32 = arith.constant 0 : i32
    %c0_i32_0 = arith.constant 0 : i32
    return %arg0, %c0_i32 : i32, i32
  }
}

module attributes {stable_mosaic.version = 14 : i64} {
  func.func @_dense_body(%arg0: i32, %arg1: memref<2560x64xf32, #tpu.memory_space<vmem>>, %arg2: memref<2560x64xf32, #tpu.memory_space<vmem>>, %arg3: memref<2560x16xf32, #tpu.memory_space<vmem>>, %arg4: memref<2560x16xf32, #tpu.memory_space<vmem>>, %arg5: memref<2560x128xf32, #tpu.memory_space<vmem>>, %arg6: memref<128x128xf32, #tpu.memory_space<vmem>>, %arg7: memref<1x128xf32, #tpu.memory_space<vmem>>, %arg8: memref<128x128xf32, #tpu.memory_space<vmem>>, %arg9: memref<1x128xf32, #tpu.memory_space<vmem>>, %arg10: memref<1x128xf32, #tpu.memory_space<vmem>>, %arg11: memref<2560x128xf32, #tpu.memory_space<vmem>>) attributes {dimension_semantics = [#tpu.dimension_semantics<arbitrary>], iteration_bounds = array<i64: 4>, scalar_prefetch = 0 : i64, scratch_operands = 0 : i64, tpu.core_type = #tpu.core_type<tc>, window_params = [{transform_indices = @transform_0, window_bounds = array<i64: 2560, 64>}, {transform_indices = @transform_1, window_bounds = array<i64: 2560, 64>}, {transform_indices = @transform_2, window_bounds = array<i64: 2560, 16>}, {transform_indices = @transform_3, window_bounds = array<i64: 2560, 16>}, {transform_indices = @transform_4, window_bounds = array<i64: 2560, 128>}, {pipeline_mode = #tpu.pipeline_mode<synchronous>, transform_indices = @transform_5, window_bounds = array<i64: 128, 128>}, {pipeline_mode = #tpu.pipeline_mode<synchronous>, transform_indices = @transform_6, window_bounds = array<i64: 1, 128>}, {pipeline_mode = #tpu.pipeline_mode<synchronous>, transform_indices = @transform_7, window_bounds = array<i64: 128, 128>}, {pipeline_mode = #tpu.pipeline_mode<synchronous>, transform_indices = @transform_8, window_bounds = array<i64: 1, 128>}, {pipeline_mode = #tpu.pipeline_mode<synchronous>, transform_indices = @transform_9, window_bounds = array<i64: 1, 128>}, {transform_indices = @transform_10, window_bounds = array<i64: 2560, 128>}]} {
    %get3A = arith.constant 0 : index
    %get3A_0 = arith.constant 0 : index
    %get3A_1 = vector.load %arg3[%get3A, %get3A_0] : memref<2560x16xf32, #tpu.memory_space<vmem>>, vector<2560x1xf32>
    %get3A_2 = arith.constant 0 : index
    %get3A_3 = arith.constant 0 : index
    %get3A_4 = vector.load %arg4[%get3A_2, %get3A_3] : memref<2560x16xf32, #tpu.memory_space<vmem>>, vector<2560x1xf32>
    %add3A = arith.addf %get3A_1, %get3A_4 : vector<2560x1xf32>
    %max3A = arith.constant 1.000000e+00 : f32
    %max3A_5 = vector.broadcast %max3A : f32 to vector<2560x1xf32>
    %max3A_6 = arith.maximumf %add3A, %max3A_5 : vector<2560x1xf32>
    %get3A_7 = arith.constant 0 : index
    %get3A_8 = arith.constant 0 : index
    %get3A_9 = vector.load %arg1[%get3A_7, %get3A_8] : memref<2560x64xf32, #tpu.memory_space<vmem>>, vector<2560x64xf32>
    %div3A = vector.broadcast %max3A_6 : vector<2560x1xf32> to vector<2560x64xf32>
    %div3A_10 = arith.divf %get3A_9, %div3A : vector<2560x64xf32>
    %get3A_11 = arith.constant 0 : index
    %get3A_12 = arith.constant 0 : index
    %get3A_13 = vector.load %arg2[%get3A_11, %get3A_12] : memref<2560x64xf32, #tpu.memory_space<vmem>>, vector<2560x64xf32>
    %div3A_14 = vector.broadcast %max3A_6 : vector<2560x1xf32> to vector<2560x64xf32>
    %div3A_15 = arith.divf %get3A_13, %div3A_14 : vector<2560x64xf32>
    %get3A_16 = arith.constant 0 : index
    %get3A_17 = arith.constant 0 : index
    %get3A_18 = vector.load %arg6[%get3A_16, %get3A_17] : memref<128x128xf32, #tpu.memory_space<vmem>>, vector<64x128xf32>
    %dot_general3A = arith.constant dense<0.000000e+00> : vector<2560x128xf32>
    %dot_general3A_19 = tpu.matmul %div3A_10, %get3A_18, %dot_general3A {dimension_numbers = #tpu.dot_dimension_numbers<[1], [0], [0], [1], [0, 0, 1, 1], [], []>, transpose_lhs_hint = false} : vector<2560x64xf32>, vector<64x128xf32>, vector<2560x128xf32> -> vector<2560x128xf32>
    %get3A_20 = arith.constant 64 : index
    %get3A_21 = arith.constant 0 : index
    %get3A_22 = vector.load %arg6[%get3A_20, %get3A_21] : memref<128x128xf32, #tpu.memory_space<vmem>>, vector<64x128xf32>
    %dot_general3A_23 = arith.constant dense<0.000000e+00> : vector<2560x128xf32>
    %dot_general3A_24 = tpu.matmul %div3A_15, %get3A_22, %dot_general3A_23 {dimension_numbers = #tpu.dot_dimension_numbers<[1], [0], [0], [1], [0, 0, 1, 1], [], []>, transpose_lhs_hint = false} : vector<2560x64xf32>, vector<64x128xf32>, vector<2560x128xf32> -> vector<2560x128xf32>
    %add3A_25 = arith.addf %dot_general3A_19, %dot_general3A_24 : vector<2560x128xf32>
    %get3A_26 = arith.constant 0 : index
    %get3A_27 = arith.constant 0 : index
    %get3A_28 = vector.load %arg7[%get3A_26, %get3A_27] : memref<1x128xf32, #tpu.memory_space<vmem>>, vector<1x128xf32>
    %add3A_29 = vector.broadcast %get3A_28 : vector<1x128xf32> to vector<2560x128xf32>
    %add3A_30 = arith.addf %add3A_25, %add3A_29 : vector<2560x128xf32>
    %get3A_31 = arith.constant 0 : index
    %get3A_32 = arith.constant 0 : index
    %get3A_33 = vector.load %arg5[%get3A_31, %get3A_32] : memref<2560x128xf32, #tpu.memory_space<vmem>>, vector<2560x128xf32>
    %get3A_34 = arith.constant 0 : index
    %get3A_35 = arith.constant 0 : index
    %get3A_36 = vector.load %arg8[%get3A_34, %get3A_35] : memref<128x128xf32, #tpu.memory_space<vmem>>, vector<128x128xf32>
    %dot_general3A_37 = arith.constant dense<0.000000e+00> : vector<2560x128xf32>
    %dot_general3A_38 = tpu.matmul %get3A_33, %get3A_36, %dot_general3A_37 {dimension_numbers = #tpu.dot_dimension_numbers<[1], [0], [0], [1], [0, 0, 1, 1], [], []>, transpose_lhs_hint = false} : vector<2560x128xf32>, vector<128x128xf32>, vector<2560x128xf32> -> vector<2560x128xf32>
    %add3A_39 = arith.addf %add3A_30, %dot_general3A_38 : vector<2560x128xf32>
    %mul3A = arith.mulf %add3A_39, %add3A_39 : vector<2560x128xf32>
    %reduce_sum3A = arith.constant dense<0.000000e+00> : vector<2560xf32>
    %reduce_sum3A_40 = vector.multi_reduction <add>, %mul3A, %reduce_sum3A [1] : vector<2560x128xf32> to vector<2560xf32>
    %broadcast_in_dim3A = vector.shape_cast %reduce_sum3A_40 : vector<2560xf32> to vector<2560x1xf32>
    %sqrt3A = math.sqrt %broadcast_in_dim3A : vector<2560x1xf32>
    %max3A_41 = arith.constant 9.99999996E-13 : f32
    %max3A_42 = vector.broadcast %max3A_41 : f32 to vector<2560x1xf32>
    %max3A_43 = arith.maximumf %sqrt3A, %max3A_42 : vector<2560x1xf32>
    %div3A_44 = vector.broadcast %max3A_43 : vector<2560x1xf32> to vector<2560x128xf32>
    %div3A_45 = arith.divf %add3A_39, %div3A_44 : vector<2560x128xf32>
    %swap3A = arith.constant 0 : index
    %swap3A_46 = arith.constant 0 : index
    %swap3A_47 = vector.load %arg11[%swap3A, %swap3A_46] : memref<2560x128xf32, #tpu.memory_space<vmem>>, vector<2560x128xf32>
    tpu.vector_store %arg11[%swap3A, %swap3A_46], %div3A_45 {strides = array<i32>} : memref<2560x128xf32, #tpu.memory_space<vmem>>, vector<2560x128xf32>,
    return
  }
  func.func @transform_0(%arg0: i32) -> (i32, i32) {
    %c0_i32 = arith.constant 0 : i32
    %c0_i32_0 = arith.constant 0 : i32
    return %arg0, %c0_i32 : i32, i32
  }
  func.func @transform_1(%arg0: i32) -> (i32, i32) {
    %add3A = arith.constant 4 : i32
    %add3A_0 = arith.addi %arg0, %add3A : i32
    %c0_i32 = arith.constant 0 : i32
    %c0_i32_1 = arith.constant 0 : i32
    return %add3A_0, %c0_i32 : i32, i32
  }
  func.func @transform_2(%arg0: i32) -> (i32, i32) {
    %c0_i32 = arith.constant 0 : i32
    %c0_i32_0 = arith.constant 0 : i32
    return %arg0, %c0_i32 : i32, i32
  }
  func.func @transform_3(%arg0: i32) -> (i32, i32) {
    %c0_i32 = arith.constant 0 : i32
    %c0_i32_0 = arith.constant 0 : i32
    return %arg0, %c0_i32 : i32, i32
  }
  func.func @transform_4(%arg0: i32) -> (i32, i32) {
    %c0_i32 = arith.constant 0 : i32
    %c0_i32_0 = arith.constant 0 : i32
    return %arg0, %c0_i32 : i32, i32
  }
  func.func @transform_5(%arg0: i32) -> (i32, i32) {
    %c0_i32 = arith.constant 0 : i32
    %c0_i32_0 = arith.constant 0 : i32
    %c0_i32_1 = arith.constant 0 : i32
    return %c0_i32, %c0_i32_0 : i32, i32
  }
  func.func @transform_6(%arg0: i32) -> (i32, i32) {
    %c0_i32 = arith.constant 0 : i32
    %c0_i32_0 = arith.constant 0 : i32
    %c0_i32_1 = arith.constant 0 : i32
    return %c0_i32, %c0_i32_0 : i32, i32
  }
  func.func @transform_7(%arg0: i32) -> (i32, i32) {
    %c0_i32 = arith.constant 0 : i32
    %c0_i32_0 = arith.constant 0 : i32
    %c0_i32_1 = arith.constant 0 : i32
    return %c0_i32, %c0_i32_0 : i32, i32
  }
  func.func @transform_8(%arg0: i32) -> (i32, i32) {
    %c0_i32 = arith.constant 0 : i32
    %c0_i32_0 = arith.constant 0 : i32
    %c0_i32_1 = arith.constant 0 : i32
    return %c0_i32, %c0_i32_0 : i32, i32
  }
  func.func @transform_9(%arg0: i32) -> (i32, i32) {
    %c0_i32 = arith.constant 0 : i32
    %c0_i32_0 = arith.constant 0 : i32
    %c0_i32_1 = arith.constant 0 : i32
    return %c0_i32, %c0_i32_0 : i32, i32
  }
  func.func @transform_10(%arg0: i32) -> (i32, i32) {
    %c0_i32 = arith.constant 0 : i32
    %c0_i32_0 = arith.constant 0 : i32
    return %arg0, %c0_i32 : i32, i32
  }
}

</mosaic_0001>

<sc_bundles>
// kernel: kernel.6.cloned.1.call-start
scs
__scs_entry_jumppad:
0x0: {  	(pc) =	sbr.rel $0x88, $3  }
0x1: {  	(tag) =	ssettag $0x0;
	lr =	simm.s32 $0x1  }
0x2: {  	[smem:$0x3F97] =	sst lr;
	_ =	strace $0xD0000000  }
0x3: {  	_ = 	snop  }
0x4: {  	_ = 	snop  }
0x5: {  	_ = 	snop  }
0x6: {  	_ = 	snop  }
0x7: {  	_ = 	snop  }
__scs_overlays_trampoline_lowered:
0x8: {  	[smem:$0x3FA6] =	sst s0  }
0x9: {  	[smem:$0x3FA7] =	sst s1  }
0xa: {  	[smem:$0x3FA8] =	sst s2  }
0xb: {  	[smem:$0x3FA9] =	sst s3  }
0xc: {  	[smem:$0x3FAA] =	sst s4  }
0xd: {  	[smem:$0x3FAB] =	sst s5  }
0xe: {  	[smem:$0x3FAC] =	sst s6  }
0xf: {  	[smem:$0x3FAD] =	sst s7  }
0x10: {  	[smem:$0x3FAE] =	sst s8  }
0x11: {  	[smem:$0x3FAF] =	sst s9;
	s0 =	simm.s32 @!p0 $0x0  }
0x12: {  	s1 =	sld [smem:$0x3F95];
	s0 =	simm.s32 @p0 $0x1  }
0x13: {  	[smem:$0x3FB0] =	sst s0;
	s0 =	simm.s32 @!p1 $0x0  }
0x14: {  	s2 =	sld [smem:$0x3F94];
	s0 =	simm.s32 @p1 $0x1  }
0x15: {  	[smem:$0x3FB1] =	sst s0;
	s0 =	simm.s32 @!p2 $0x0  }
0x16: {  	s3 =	sld [smem:$0x3FDB];
	s0 =	simm.s32 @p2 $0x1  }
0x17: {  	s4 =	simm.s32 $0x1BF5;
	[smem:$0x3FB3] =	sst s0  }
0x18: {  	s0 =	sld [smem:$0x3F96];
	_ =	swait.ge [sflag:s4], $0x0  }
0x19: {  	s7 =	sld [smem:$0x3F97]  }
0x1a: {  	s8 =	sadd.s32 $0xFFFFE003, lr  }
0x1b: {  	s9 =	sadd.s32 $0xFFFFFEF7, lr;
	s5 =	simm.s32 $0xFFFFFFFF;
	p2 =	slt.u32 s8, $0xFFFFF086  }
0x1c: {  	p1 =	slt.u32 s9, $0xF7A;
	s5 =	simm.s32 @!p2 $0x0  }
0x1d: {  	s5 =	simm.s32 @p1 $0x1;
	p0 =	seq.s32 s7, s2  }
0x1e: {  	s7 =	smul.u32 @!p0 $0xF7A, s2;
	p2 =	seq.s32 @!p0 s5, $0x0  }
0x1f: {  	s9 =	smul.u32 $0xF7A, s1;
	s8 =	simm.s32 @!p0 $0x1BF5;
	p2 =	por !p2, p0  }
0x20: {  	[sflag:s8] =	ssyncset.s32 @!p0 $0xFFFFF086;
	s6 =	sadd.s32 @!p0 s3, s7;
	s7 =	simm.s32 @!p0 $0x108  }
0x21: {  	s3 =	sadd.s32 s3, s9;
	s6 =	sadd.s32 @!p0 $0x88, s6;
	s7 =	simm.s32 @p2 $0x1082  }
0x22: {  	[simem:s7], [sflag:s8] =	dma.local @!p0 [hbm:s6], $0xF7A  }
0x23: {  	s9 =	sor.u32 $0xD0000000, s2;
	s6 =	simm.s32 $0x108;
	_ =	swait.ge @!p0 [sflag:s8], $0x0  }
0x24: {  	s3 =	sadd.s32 $0x88, s3;
	s6 =	simm.s32 @!p1 $0x1082;
	[sflag:s4] =	ssyncset.s32 $0xFFFFF086  }
0x25: {  	[simem:s6], [sflag:s4] =	dma.local [hbm:s3], $0xF7A  }
0x26: {  	[smem:$0x3F97] =	sst s1;
	(tag) =	ssettag s2;
	_ =	strace s9  }
0x27: {  	s1 =	sld [smem:$0x3FA7]  }
0x28: {  	s2 =	sld [smem:$0x3FA8]  }
0x29: {  	s4 =	sld [smem:$0x3FAA]  }
0x2a: {  	p0 =	seq.s32 s5, $0x0;
	s5 =	sld [smem:$0x3FAB]  }
0x2b: {  	s6 =	sld [smem:$0x3FAC]  }
0x2c: {  	s7 =	sld [smem:$0x3FAD]  }
0x2d: {  	s3 =	simm.s32 $0x108;
	s8 =	sld [smem:$0x3FAE]  }
0x2e: {  	s3 =	simm.s32 @!p0 $0x1082;
	s9 =	sld [smem:$0x3FAF]  }
0x2f: {  	lr =	sadd.s32 s0, s3;
	s0 =	sld [smem:$0x3FA6]  }
0x30: {  	s3 =	sld [smem:$0x3FA9]  }
0x31: {  	[smem:$0x3FB2] =	sst s10  }
0x32: {  	s10 =	sld [smem:$0x3FB0];
	_ =	sdelay $0x3  }
0x33: {  	p0 =	seq.s32 s10, $0x1;
	s10 =	sld [smem:$0x3FB2];
	_ =	sdelay $0x3  }
0x34: {  	[smem:$0x3FB2] =	sst s10  }
0x35: {  	s10 =	sld [smem:$0x3FB1];
	_ =	sdelay $0x3  }
0x36: {  	p1 =	seq.s32 s10, $0x1;
	s10 =	sld [smem:$0x3FB2];
	_ =	sdelay $0x3  }
0x37: {  	[smem:$0x3FB2] =	sst s10  }
0x38: {  	s10 =	sld [smem:$0x3FB3]  }
0x39: {  	_ = 	snop;
	(pc) =	sbr.ind lr, $3  }
0x3a: {  	_ = 	snop  }
0x3b: {  	_ = 	snop  }
0x3c: {  	p2 =	seq.s32 s10, $0x1;
	s10 =	sld [smem:$0x3FB2]  }
0x3d: {  	_ =	shalt  }
0x3e: {  	_ =	shalt  }
0x3f: {  	_ =	shalt  }
0x40: {  	_ =	shalt  }
0x41: {  	_ =	shalt  }
0x42: {  	_ =	shalt  }
0x43: {  	_ =	shalt  }
0x44: {  	_ =	shalt  }
0x45: {  	_ =	shalt  }
0x46: {  	_ =	shalt  }
0x47: {  	_ =	shalt  }
0x48: {  	_ =	shalt  }
0x49: {  	_ =	shalt  }
0x4a: {  	_ =	shalt  }
0x4b: {  	_ =	shalt  }
0x4c: {  	_ =	shalt  }
0x4d: {  	_ =	shalt  }
0x4e: {  	_ =	shalt  }
0x4f: {  	_ =	shalt  }
0x50: {  	_ =	shalt  }
0x51: {  	_ =	shalt  }
0x52: {  	_ =	shalt  }
0x53: {  	_ =	shalt  }
0x54: {  	_ =	shalt  }
0x55: {  	_ =	shalt  }
0x56: {  	_ =	shalt  }
0x57: {  	_ =	shalt  }
0x58: {  	_ =	shalt  }
0x59: {  	_ =	shalt  }
0x5a: {  	_ =	shalt  }
0x5b: {  	_ =	shalt  }
0x5c: {  	_ =	shalt  }
0x5d: {  	_ =	shalt  }
0x5e: {  	_ =	shalt  }
0x5f: {  	_ =	shalt  }
0x60: {  	_ =	shalt  }
0x61: {  	_ =	shalt  }
0x62: {  	_ =	shalt  }
0x63: {  	_ =	shalt  }
0x64: {  	_ =	shalt  }
0x65: {  	_ =	shalt  }
0x66: {  	_ =	shalt  }
0x67: {  	_ =	shalt  }
0x68: {  	_ =	shalt  }
0x69: {  	_ =	shalt  }
0x6a: {  	_ =	shalt  }
0x6b: {  	_ =	shalt  }
0x6c: {  	_ =	shalt  }
0x6d: {  	_ =	shalt  }
0x6e: {  	_ =	shalt  }
0x6f: {  	_ =	shalt  }
0x70: {  	_ =	shalt  }
0x71: {  	_ =	shalt  }
0x72: {  	_ =	shalt  }
0x73: {  	_ =	shalt  }
0x74: {  	_ =	shalt  }
0x75: {  	_ =	shalt  }
0x76: {  	_ =	shalt  }
0x77: {  	_ =	shalt  }
0x78: {  	_ =	shalt  }
0x79: {  	_ =	shalt  }
0x7a: {  	_ =	shalt  }
0x7b: {  	_ =	shalt  }
0x7c: {  	_ =	shalt  }
0x7d: {  	_ =	shalt  }
0x7e: {  	_ =	shalt  }
0x7f: {  	_ =	shalt  }
0x80: {  	_ =	shalt  }
0x81: {  	_ =	shalt  }
0x82: {  	_ =	shalt  }
0x83: {  	_ =	shalt  }
0x84: {  	_ =	shalt  }
0x85: {  	_ =	shalt  }
0x86: {  	_ =	shalt  }
0x87: {  	_ =	shalt  }
.Lfunc_end0:
.L_simem_size_0:
called_computation_lowered:
.L_overlay_start_0:
0x88: {  	s2 =	sld [smem:$0x3FD9]  }
0x89: {  	s3 =	sld [smem:$0x3FFE];
	_ =	sdelay $0x1  }
0x8a: {  	s1 =	srdreg.scid  }
0x8b: {  	s0 =	sand.u32 $0x1, s1  }
0x8c: {  	s17 =	sshll.u32 s0, $0xA;
	s2 =	sadd.s32 s3, s2  }
0x8d: {  	s2 =	sadd.s32 s2, s17  }
0x8e: {  	[smem:$0x3FBE] =	sst s2  }
0x8f: {  	_ = 	snop  }
0x90: {  	s2 =	sld [smem:$0x3FC9]  }
0x91: {  	s18 =	sld [smem:$0x3FD0];
	(tm) =	ssettm $0x1  }
0x92: {  	s4 =	sld [smem:$0x3FFB];
	_ =	sdelay $0x3  }
0x93: {  	_ =	strace s4  }
0x94: {  	s4 =	sld [smem:$0x3FFC];
	_ =	sdelay $0x3  }
0x95: {  	_ =	strace s4  }
0x96: {  	s4 =	sld [smem:$0x3FFD];
	_ =	sdelay $0x3  }
0x97: {  	_ =	strace s4  }
0x98: {  	_ =	strace $0x8FFFFFFF  }
0x99: {  	s19 =	sld [smem:$0x3FDB];
	_ =	sdelay $0x1  }
0x9a: {  	s5 =	simm.s32 $_scs_section_size  }
0x9b: {  	s6 =	simm.s32 $_size__tile_overlayer_lowered;
	s7 =	simm.s32 $_tile_overlayer_lowered  }
0x9c: {  	s22 =	simm.s32 $0x1BFF;
	s21 =	sshll.u32 s7, $0x1;
	s4 =	sadd.s32 s5, s19  }
0x9d: {  	s8 =	simm.s32 $0x0;
	s20 =	sshll.u32 s6, $0x1;
	s6 =	sadd.s32 s21, s4  }
0x9e: {  	[timem:s8], [sflag:s22] =	dma.local [hbm:s6], s20  }
0x9f: {  	_ =	swait.ge [sflag:s22], s20  }
0xa0: {  	s5 =	ssub.s32 $0x0, s20;
	[sflag:s22] =	ssyncset.done $0x0  }
0xa1: {  	[sflag:s22] =	ssyncadd.s32 s5;
	_ =	sdelay $0x1  }
0xa2: {  	s23 =	simm.s32 $0x1B8B  }
0xa3: {  	_ =	swait.ge [sflag:s23], $0x1  }
0xa4: {  	[sflag:s23] =	ssyncset.done $0x0  }
0xa5: {  	s25 =	simm.s32 $0x1B8E;
	s24 =	sld [smem:$0x3FFE];
	[sflag:s23] =	ssyncadd.s32 $0xFFFFFFFF  }
0xa6: {  	s26 =	simm.s32 $execute0_lowered;
	[smem:$0x3FD2] =	sst s25  }
0xa7: {  	s6 =	sshll.u32 s26, $0x1;
	_ =	strace $0x80000046;
	[dreg:$0x1] =	wrdreg $0xFFFFFFFF  }
0xa8: {  	s28 =	simm.s32 $_size_execute0_lowered;
	s4 =	sadd.s32 s4, s6;
	[dreg:$0x0] =	wrdreg $0x0  }
0xa9: {  	s6 =	sshll.u32 s28, $0x1;
	[dreg:$0x2] =	wrdreg s4  }
0xaa: {  	[dreg:$0x3] =	wrdreg s6  }
0xab: {  	[dreg:$0x4] =	wrdreg $0xC0  }
0xac: {  	_ =	task [dreg:s8], $0x5FFFF  }
0xad: {  	[dreg:$0x1] =	wrdreg $0xFFFFFFFF  }
0xae: {  	[dreg:$0x0] =	wrdreg $0x60  }
0xaf: {  	[dreg:$0x2] =	wrdreg s2  }
0xb0: {  	[dreg:$0x3] =	wrdreg s24  }
0xb1: {  	[dreg:$0x4] =	wrdreg s18  }
0xb2: {  	[dreg:$0x5] =	wrdreg $0x0  }
0xb3: {  	[dreg:$0x6] =	wrdreg $0xA0000  }
0xb4: {  	[dreg:$0x7] =	wrdreg $0x9  }
0xb5: {  	_ =	task.clear_ibuf [dreg:s8], $0x8FFFF;
	_ =	strace $0x90000046  }
0xb6: {  	s29 =	simm.s32 $0x9;
	_ =	strace $0x80000048  }
0xb7: {  	_ =	swait.ge [sflag:s29], $0x1  }
0xb8: {  	[sflag:s29] =	ssyncadd.s32 $0xFFFFFFFF  }
0xb9: {  	_ =	strace $0x90000048  }
0xba: {  	_ =	sfence  }
0xbb: {  	s30 =	sld [smem:$0x0];
	_ =	sdelay $0x2  }
0xbc: {  	s31 =	sshll.u32 s1, $0xD;
	s1 =	sshrl.u32 s1, $0x2  }
0xbd: {  	s3 =	sand.u32 $0x4000, s31;
	s1 =	sadd.s32 s1, s30  }
0xbe: {  	s0 =	sor.u32 s3, s0;
	s1 =	sshll.u32 s1, $0x11  }
0xbf: {  	s0 =	sor.u32 s1, s0  }
0xc0: {  	s0 =	sadd.s32 $0x8F2B, s0  }
0xc1: {  	[sflag:s0] =	ssyncadd.remote.s32 $0x1  }
0xc2: {  	_ =	sfence.sel $0xFFFF  }
0xc3: {  	[dreg:$0x0] =	wrdreg $0xFFFFFFFF;
	(pc) =	sbr.abs _section_cstart, $3  }
0xc4: {  	[dreg:$0x1] =	wrdreg $0xFFFFFFFF  }
0xc5: {  	_ =	task.clear_ibuf [dreg:s8], $0x2FFFF;
	_ =	strace $0x9FFFFFFF  }
0xc6: {  	(tm) =	ssettm $0x7FFFFFFF  }
0xc7: {  	_ =	shalt  }
tec
execute0_lowered:
.L_overlay_start_1:
0x0: {  	(tag) =	ssettag $0x1  }
0x1: {  	s1 =	rddreg [dreg:$0x0]  }
0x2: {  	s26 =	rddreg [dreg:$0x1]  }
0x3: {  	s7 =	rddreg [dreg:$0x2]  }
0x4: {  	s0 =	srdreg.scid;
	s4 =	rddreg [dreg:$0x3]  }
0x5: {  	s6 =	stileid.u32;
	s5 =	rddreg [dreg:$0x4]  }
0x6: {  	s10 =	simm.s32 $0x0;
	s28 =	simm.s32 $0xA;
	s29 =	simm.s32 $0x50  }
0x7: {  	s30 =	simm.s32 $0x11B20;
	s31 =	simm.s32 $0x15720;
	s8 =	smul.u32 $0x9C4, s6  }
0x8: {  	s2 =	sand.u32 $0x1, s0;
	s9 =	smul.u32 $0x1400, s6;
	[smem:$0x7FF] =	sst s10  }
0x9: {  	s11 =	sadd.s32 $0x1FE00, s26;
	s13 =	sadd.s32 $0x21200, s26;
	s14 =	sadd.s32 $0x1FC00, s26  }
0xa: {  	s0 =	sadd.s32 $0x21800, s26;
	_ =	strace $0x80000047;
	[dreg:$0x6] =	wrdreg s11  }
0xb: {  	s19 =	sshll.u32 s6, $0x6;
	s20 =	smul.u32 $0x2800, s6;
	[dreg:$0x7] =	wrdreg s13  }
0xc: {  	s3 =	sshll.u32 s2, $0x4;
	s12 =	smul.u32 $0x14000, s2;
	[dreg:$0x8] =	wrdreg s14  }
0xd: {  	s15 =	ssub.s32 $0x2, s2;
	s21 =	sor.u32 $0x1C08, s19;
	p0 =	seq.s32 s2, $0x1  }
0xe: {  	[dreg:$0xb] =	wrdreg s19;
	s11 =	simm.s32 $0x0;
	s3 =	sor.u32 s6, s3  }
0xf: {  	s8 =	sadd.s32 s8, s26;
	s16 =	sshrl.u32 s15, $0x1;
	[dreg:$0xc] =	wrdreg s21  }
0x10: {  	s22 =	sadd.s32 s20, s5;
	s7 =	smov.u32 @p0 s0;
	s3 =	smul.u32 $0x9C4, s3  }
0x11: {  	s0 =	simm.s32 $0xC;
	s9 =	sadd.s32 s9, s12;
	s12 =	smul.u32 $0x28000, s6  }
0x12: {  	s10 =	ssub.s32 s15, s16;
	s17 =	sadd.s32 $0x2400, s8;
	s8 =	sshrl.u32 s20, $0x3  }
0x13: {  	s16 =	sshrl.u32 s22, $0x3;
	s20 =	simm.s32 $0x16B20;
	s9 =	sadd.s32 s9, s26  }
0x14: {  	[dreg:$0xa] =	wrdreg s17;
	s24 =	smax.u32 s10, $0x1;
	s25 =	sadd.s32 s7, s8  }
0x15: {  	s7 =	simm.s32 $0xD;
	s8 =	simm.s32 $0xE;
	[dreg:$0x11] =	wrdreg s16  }
0x16: {  	s10 =	simm.s32 $0x10;
	s3 =	sadd.s32 s3, s26;
	[dreg:$0xe] =	wrdreg s24  }
0x17: {  	s18 =	sshrl.u32 s12, $0x2;
	s23 =	sadd.s32 $0x26800, s9;
	[dreg:$0xf] =	wrdreg s25  }
.Ltmp0:
0x18: {  	s26 =	sor.u32 $0x1C0A, s19;
	s24 =	simm.s32 $0x7;
	(pc) =	sbr.rel .LBB2_1-.Ltmp0, $4  }
0x19: {  	s25 =	simm.s32 $0x8;
	s9 =	simm.s32 $0xF;
	[dreg:$0xd] =	wrdreg s23  }
0x1a: {  	s3 =	sadd.s32 $0xC200, s3;
	[dreg:$0x10] =	wrdreg s26;
	s23 =	simm.s32 $0x6  }
0x1b: {  	s26 =	simm.s32 $0x9;
	[dreg:$0x9] =	wrdreg s3;
	s3 =	sadd.s32 s18, s4  }
0x1c: {  	s18 =	simm.s32 $0x14320;
	s15 =	sshrl.u32 s3, $0x3;
	s3 =	simm.s32 $0x12F20  }
.LBB2_4:
0x1d: {  	[bflag:$0x0] =	sbarrier.arrive $0xFFFF  }
0x1e: {  	s6 =	rddreg [dreg:$0xb]  }
0x1f: {  	s12 =	rddreg [dreg:$0xd];
	s6 =	sor.u32 $0x1C10, s6  }
0x20: {  	[hbm:s12], [sflag:s6] =	dma.local [spmem:s22], $0x1400  }
0x21: {  	_ =	swait.ge [sflag:s10], $0x1400  }
0x22: {  	[sflag:s10] =	ssyncset.done $0x0;
	s21 =	rddreg [dreg:$0xf]  }
0x23: {  	s16 =	rddreg [dreg:$0x11];
	[sflag:s10] =	ssyncadd.s32 $0xFFFFEC00  }
0x24: {  	[hbm:s21], [sflag:s6] =	dma.local [spmem:s16], $0x500  }
0x25: {  	_ =	swait.ge [sflag:s10], $0x500  }
0x26: {  	s15 =	smov.u32 s22;
	s11 =	sadd.s32 $0x1, s11;
	s22 =	rddreg [dreg:$0xe]  }
0x27: {  	p0 =	sne.s32 s11, s22  }
.Ltmp1:
0x28: {  	_ = 	snop;
	(pc) =	sbr.rel @!p0 .LBB2_5-.Ltmp1, $3  }
0x29: {  	_ =	sdelay $0x1  }
0x2a: {  	[sflag:s10] =	ssyncset.done $0x0  }
0x2b: {  	[sflag:s10] =	ssyncadd.s32 $0xFFFFFB00  }
.LBB2_1:
0x2c: {  	s12 =	rddreg [dreg:$0x9]  }
0x2d: {  	s22 =	rddreg [dreg:$0xa]  }
0x2e: {  	s6 =	simm.s32 $0x0;
	s14 =	simm.s32 $0x17F20;
	s17 =	rddreg [dreg:$0x6]  }
0x2f: {  	[tilespmem:s14], [sflag:$0x6] =	stream.linear.gather [hbm4b:s12+s6], $0x4E20, $0x38;
	[tilespmem:$0x1CD40] =	vst v63  }
0x30: {  	s13 =	simm.s32 $0xC800;
	s19 =	rddreg [dreg:$0xc]  }
0x31: {  	[tilespmem:s13], [sflag:$0x7] =	stream.linear.gather [hbm4b:s22+s6], $0x4E20, $0x38;
	[tilespmem:$0x1CD40] =	vst v63  }
0x32: {  	[spmem:s15], [sflag:s19] =	dma.local [hbm:s17], $0x1400  }
0x33: {  	s12 =	rddreg [dreg:$0x8]  }
0x34: {  	s13 =	rddreg [dreg:$0x7]  }
0x35: {  	s21 =	simm.s32 $0x11620;
	s22 =	smov.u32 s15;
	s15 =	rddreg [dreg:$0x10]  }
0x36: {  	[tilespmem:s21], [sflag:$0x9] =	stream.linear.gather [hbm4b:s12+s6], $0x500, $0x38;
	[tilespmem:$0x1CD40] =	vst v63  }
0x37: {  	[spmem:s16], [sflag:s15] =	dma.local [hbm:s13], $0x500  }
0x38: {  	_ =	swait.ge [sflag:s23], $0x4E20  }
0x39: {  	[sflag:s23] =	ssyncset.done $0x0  }
0x3a: {  	[sflag:s23] =	ssyncadd.s32 $0xFFFFB1E0  }
0x3b: {  	_ =	swait.ge [sflag:s24], $0x4E20  }
0x3c: {  	[sflag:s24] =	ssyncset.done $0x0  }
0x3d: {  	[sflag:s24] =	ssyncadd.s32 $0xFFFFB1E0  }
0x3e: {  	_ =	swait.ge [sflag:s25], $0x1400  }
0x3f: {  	[sflag:s25] =	ssyncset.done $0x0  }
0x40: {  	[sflag:s25] =	ssyncadd.s32 $0xFFFFEC00  }
0x41: {  	_ =	swait.ge [sflag:s26], $0x500  }
0x42: {  	[sflag:s26] =	ssyncset.done $0x0  }
0x43: {  	[sflag:s26] =	ssyncadd.s32 $0xFFFFFB00  }
0x44: {  	_ =	swait.ge [sflag:s28], $0x500  }
0x45: {  	[sflag:s28] =	ssyncset.done $0x0  }
0x46: {  	[sflag:s28] =	ssyncadd.s32 $0xFFFFFB00  }
0x47: {  	[bflag:$0x0] =	sbarrier.arrive $0xFFFF  }
0x48: {  	[tilespmem:s30], [sflag:$0x6] =	stream.indirect.gather [hbm4b:s1+s29], $0x40, s14, s29, $0xb8;
	[tilespmem:$0x1CD40] =	vst v63  }
0x49: {  	s16 =	simm.s32 $0x17F70  }
0x4a: {  	[tilespmem:s3], [sflag:$0x7] =	stream.indirect.gather [hbm4b:s1+s29], $0x40, s16, s29, $0xb8;
	[tilespmem:$0x1CD40] =	vst v63  }
0x4b: {  	s17 =	simm.s32 $0x17FC0  }
0x4c: {  	[tilespmem:s18], [sflag:$0x8] =	stream.indirect.gather [hbm4b:s1+s29], $0x40, s17, s29, $0xb8;
	[tilespmem:$0x1CD40] =	vst v63  }
0x4d: {  	s19 =	simm.s32 $0x18010  }
0x4e: {  	[tilespmem:s31], [sflag:$0x9] =	stream.indirect.gather [hbm4b:s1+s29], $0x40, s19, s29, $0xb8;
	[tilespmem:$0x1CD40] =	vst v63  }
0x4f: {  	s21 =	simm.s32 $0x18060;
	s13 =	simm.s32 $0x0;
	s17 =	simm.s32 $0x0  }
0x50: {  	[tilespmem:s20], [sflag:$0xA] =	stream.indirect.gather [hbm4b:s1+s29], $0x40, s21, s29, $0xb8;
	[tilespmem:$0x1CD40] =	vst v63  }
.LBB2_2:
0x51: {  	_ =	swait.ge [sflag:s23], $0x1400  }
0x52: {  	s14 =	sshra.s32 s17, $0x2;
	s16 =	sand.u32 $0x1, s13;
	[sflag:s23] =	ssyncset.done $0x0  }
0x53: {  	s15 =	sadd.s32 $0xC800, s14;
	p0 =	sne.s32 s2, s16;
	[sflag:s23] =	ssyncadd.s32 $0xFFFFEC00  }
0x54: {  	[spmem:s4] =	stream.indirect.scatter.add.f32 [tilespmem:s30], [sflag:$0xB], $0x40, s15, s29, $0xb8;
	[tilespmem:$0x1CD40] =	vst v63  }
0x55: {  	s12 =	simm.s32 @!p0 $0x50;
	s21 =	simm.s32 @!p0 $0x11620  }
0x56: {  	[spmem:s5] =	stream.indirect.scatter.add.f32 @!p0 [tilespmem:s21], [sflag:$0x1], $0x10, s15, s12, $0xb8;
	[tilespmem:$0x1CD40] =	vst v63  }
0x57: {  	s6 =	sxor.u32 $0xFFFFFFFF, s13;
	_ =	swait.ge [sflag:s24], $0x1400  }
0x58: {  	s6 =	sand.u32 $0x1, s6;
	[sflag:s24] =	ssyncset.done $0x0  }
0x59: {  	p2 =	sne.s32 s2, s6;
	s15 =	sadd.s32 $0xC850, s14;
	[sflag:s24] =	ssyncadd.s32 $0xFFFFEC00  }
0x5a: {  	[spmem:s4] =	stream.indirect.scatter.add.f32 [tilespmem:s3], [sflag:$0xC], $0x40, s15, s29, $0xb8;
	[tilespmem:$0x1CD40] =	vst v63  }
0x5b: {  	s6 =	simm.s32 @!p2 $0x50;
	s19 =	simm.s32 @!p2 $0x11620  }
0x5c: {  	[spmem:s5] =	stream.indirect.scatter.add.f32 @!p2 [tilespmem:s19], [sflag:$0x2], $0x10, s15, s6, $0xb8;
	[tilespmem:$0x1CD40] =	vst v63  }
0x5d: {  	_ =	swait.ge [sflag:s25], $0x1400  }
0x5e: {  	[sflag:s25] =	ssyncset.done $0x0  }
0x5f: {  	s6 =	sadd.s32 $0xC8A0, s14;
	[sflag:s25] =	ssyncadd.s32 $0xFFFFEC00  }
0x60: {  	[spmem:s4] =	stream.indirect.scatter.add.f32 [tilespmem:s18], [sflag:$0xD], $0x40, s6, s29, $0xb8;
	[tilespmem:$0x1CD40] =	vst v63  }
0x61: {  	_ = 	snop  }
0x62: {  	[spmem:s5] =	stream.indirect.scatter.add.f32 @!p0 [tilespmem:s21], [sflag:$0x3], $0x10, s6, s12, $0xb8;
	[tilespmem:$0x1CD40] =	vst v63  }
0x63: {  	s21 =	sadd.s32 $0xFFFFFFFF, s13;
	_ =	swait.ge [sflag:s26], $0x1400  }
0x64: {  	s6 =	sand.u32 $0x1, s21;
	[sflag:s26] =	ssyncset.done $0x0  }
0x65: {  	s12 =	sadd.s32 $0xC8F0, s14;
	p1 =	sne.s32 s2, s6;
	[sflag:s26] =	ssyncadd.s32 $0xFFFFEC00  }
0x66: {  	[spmem:s4] =	stream.indirect.scatter.add.f32 [tilespmem:s31], [sflag:$0xE], $0x40, s12, s29, $0xb8;
	[tilespmem:$0x1CD40] =	vst v63  }
0x67: {  	s6 =	simm.s32 @!p1 $0x50;
	s15 =	simm.s32 @!p1 $0x11620  }
0x68: {  	[spmem:s5] =	stream.indirect.scatter.add.f32 @!p1 [tilespmem:s15], [sflag:$0x4], $0x10, s12, s6, $0xb8;
	[tilespmem:$0x1CD40] =	vst v63  }
0x69: {  	_ =	swait.ge [sflag:s28], $0x1400  }
0x6a: {  	[sflag:s28] =	ssyncset.done $0x0  }
0x6b: {  	p4 =	seq.s32 s2, s16;
	s6 =	sadd.s32 $0xC940, s14;
	[sflag:s28] =	ssyncadd.s32 $0xFFFFEC00  }
0x6c: {  	[spmem:s4] =	stream.indirect.scatter.add.f32 [tilespmem:s20], [sflag:$0xF], $0x40, s6, s29, $0xb8;
	[tilespmem:$0x1CD40] =	vst v63  }
0x6d: {  	s12 =	simm.s32 @p4 $0x50;
	s15 =	simm.s32 @p4 $0x11620  }
0x6e: {  	[spmem:s5] =	stream.indirect.scatter.add.f32 @p4 [tilespmem:s15], [sflag:$0x5], $0x10, s6, s12, $0xb8;
	[tilespmem:$0x1CD40] =	vst v63  }
0x6f: {  	s6 =	simm.s32 @p4 $0xB  }
0x70: {  	_ =	swait.ge @p4 [sflag:s6], $0x1400  }
0x71: {  	[sflag:s6] =	ssyncset.done @p4 $0x0  }
0x72: {  	[sflag:s6] =	ssyncadd.s32 @p4 $0xFFFFEC00;
	s6 =	simm.s32 @p4 $0x1  }
0x73: {  	_ =	swait.ge @p4 [sflag:s6], $0x500  }
0x74: {  	[sflag:s6] =	ssyncset.done @p4 $0x0  }
0x75: {  	[sflag:s6] =	ssyncadd.s32 @p4 $0xFFFFFB00;
	s6 =	simm.s32 @!p4 $0xB  }
0x76: {  	_ =	swait.ge @!p4 [sflag:s6], $0x1400  }
0x77: {  	p3 =	seq.s32 s17, $0x13240;
	[sflag:s6] =	ssyncset.done @!p4 $0x0  }
0x78: {  	[sflag:s6] =	ssyncadd.s32 @!p4 $0xFFFFEC00;
	s6 =	sshra.s32 @!p3 s17, $0x2  }
0x79: {  	s16 =	simm.s32 @!p3 $0x11B20;
	s15 =	simm.s32 @!p3 $0x50;
	s12 =	sadd.s32 @!p3 $0x180B0, s6  }
0x7a: {  	[tilespmem:s16], [sflag:$0x6] =	stream.indirect.gather @!p3 [hbm4b:s1+s15], $0x40, s12, s15, $0xb8;
	[tilespmem:$0x1CD40] =	vst v63  }
0x7b: {  	_ =	swait.ge [sflag:s0], $0x1400  }
0x7c: {  	[sflag:s0] =	ssyncset.done $0x0  }
0x7d: {  	s12 =	simm.s32 @!p2 $0x2;
	[sflag:s0] =	ssyncadd.s32 $0xFFFFEC00  }
0x7e: {  	_ =	swait.ge @!p2 [sflag:s12], $0x500  }
0x7f: {  	[sflag:s12] =	ssyncset.done @!p2 $0x0  }
0x80: {  	s16 =	simm.s32 @!p3 $0x12F20;
	[sflag:s12] =	ssyncadd.s32 @!p2 $0xFFFFFB00;
	s12 =	sadd.s32 @!p3 $0x18100, s6  }
0x81: {  	[tilespmem:s16], [sflag:$0x7] =	stream.indirect.gather @!p3 [hbm4b:s1+s15], $0x40, s12, s15, $0xb8;
	[tilespmem:$0x1CD40] =	vst v63  }
0x82: {  	_ =	swait.ge [sflag:s7], $0x1400  }
0x83: {  	[sflag:s7] =	ssyncset.done $0x0  }
0x84: {  	s12 =	simm.s32 @!p0 $0x3;
	[sflag:s7] =	ssyncadd.s32 $0xFFFFEC00  }
0x85: {  	_ =	swait.ge @!p0 [sflag:s12], $0x500  }
0x86: {  	[sflag:s12] =	ssyncset.done @!p0 $0x0  }
0x87: {  	s16 =	simm.s32 @!p3 $0x14320;
	[sflag:s12] =	ssyncadd.s32 @!p0 $0xFFFFFB00;
	s12 =	sadd.s32 @!p3 $0x18150, s6  }
0x88: {  	[tilespmem:s16], [sflag:$0x8] =	stream.indirect.gather @!p3 [hbm4b:s1+s15], $0x40, s12, s15, $0xb8;
	[tilespmem:$0x1CD40] =	vst v63  }
0x89: {  	_ =	swait.ge [sflag:s8], $0x1400  }
0x8a: {  	[sflag:s8] =	ssyncset.done $0x0  }
0x8b: {  	s12 =	simm.s32 @!p1 $0x4;
	[sflag:s8] =	ssyncadd.s32 $0xFFFFEC00  }
0x8c: {  	_ =	swait.ge @!p1 [sflag:s12], $0x500  }
0x8d: {  	[sflag:s12] =	ssyncset.done @!p1 $0x0  }
0x8e: {  	s6 =	sadd.s32 @!p3 $0x181A0, s6;
	[sflag:s12] =	ssyncadd.s32 @!p1 $0xFFFFFB00;
	s12 =	simm.s32 @!p3 $0x15720  }
0x8f: {  	[tilespmem:s12], [sflag:$0x9] =	stream.indirect.gather @!p3 [hbm4b:s1+s15], $0x40, s6, s15, $0xb8;
	[tilespmem:$0x1CD40] =	vst v63  }
0x90: {  	_ =	swait.ge [sflag:s9], $0x1400  }
.Ltmp2:
0x91: {  	[sflag:s9] =	ssyncset.done $0x0;
	(pc) =	sbr.rel @p3 .LBB2_4-.Ltmp2, $4  }
0x92: {  	s6 =	simm.s32 @!p0 $0x5;
	[sflag:s9] =	ssyncadd.s32 $0xFFFFEC00  }
0x93: {  	_ =	swait.ge @!p0 [sflag:s6], $0x500  }
0x94: {  	[sflag:s6] =	ssyncset.done @!p0 $0x0  }
0x95: {  	[sflag:s6] =	ssyncadd.s32 @!p0 $0xFFFFFB00  }
.Ltmp3:
0x96: {  	(pc) =	sbr.rel .LBB2_2-.Ltmp3, $3  }
0x97: {  	_ =	sdelay $0x1  }
0x98: {  	s6 =	sadd.s32 $0x181F0, s14;
	s17 =	sadd.s32 $0x640, s17;
	s13 =	sadd.s32 $0x5, s13  }
0x99: {  	[tilespmem:s20], [sflag:$0xA] =	stream.indirect.gather [hbm4b:s1+s29], $0x40, s6, s29, $0xb8;
	[tilespmem:$0x1CD40] =	vst v63  }
.LBB2_5:
0x9a: {  	_ =	sfence.sel $0x180000  }
0x9b: {  	[bflag:$0x0] =	sbarrier.arrive $0xFFFF  }
0x9c: {  	_ =	strace $0x90000047  }
0x9d: {  	s0 =	stileid.u32;
	[bflag:$0x2] =	sbarrier.arrive $0xFFFF  }
0x9e: {  	p0 =	sne.s32 s0, $0x0;
	s0 =	rddreg [dreg:$0x5]  }
0x9f: {  	s0 =	sadd.s32 @!p0 $0x100000, s0  }
0xa0: {  	[sflag:s0] =	ssyncadd.tile.s32 @!p0 $0x1;
	_ =	shalt  }
.Lfunc_end2:
_tile_overlayer_lowered:
.L_overlay_start_2:
0xa1: {  	(tag) =	ssettag $0x2  }
0xa2: {  	s0 =	rddreg [dreg:$0x0];
	s2 =	stileid.u32  }
0xa3: {  	s1 =	rddreg [dreg:$0x1];
	p0 =	sne.s32 s2, $0x0  }
0xa4: {  	s3 =	rddreg [dreg:$0x2];
	[bflag:$0x3] =	sbarrier.arrive $0xFFFF;
	s2 =	simm.s32 @!p0 $0x1C10  }
0xa5: {  	[timem:s3], [sflag:s2] =	dma.local @!p0 [hbm:s0], s1  }
0xa6: {  	s0 =	simm.s32 @!p0 $0x10  }
0xa7: {  	_ =	swait.ge @!p0 [sflag:s0], s1  }
0xa8: {  	s1 =	ssub.s32 @!p0 $0x0, s1;
	[sflag:s0] =	ssyncset.done @!p0 $0x0  }
0xa9: {  	[sflag:s0] =	ssyncadd.s32 @!p0 s1  }
0xaa: {  	[bflag:$0x3] =	sbarrier.arrive $0xFFFF  }
0xab: {  	_ =	shalt  }

// kernel: kernel.9.cloned.1.call-start
scs
__scs_entry_jumppad:
0x0: {  	(pc) =	sbr.rel $0x88, $3  }
0x1: {  	(tag) =	ssettag $0x0;
	lr =	simm.s32 $0x1  }
0x2: {  	[smem:$0x3F97] =	sst lr;
	_ =	strace $0xD0000000  }
0x3: {  	_ = 	snop  }
0x4: {  	_ = 	snop  }
0x5: {  	_ = 	snop  }
0x6: {  	_ = 	snop  }
0x7: {  	_ = 	snop  }
__scs_overlays_trampoline_lowered:
0x8: {  	[smem:$0x3FA6] =	sst s0  }
0x9: {  	[smem:$0x3FA7] =	sst s1  }
0xa: {  	[smem:$0x3FA8] =	sst s2  }
0xb: {  	[smem:$0x3FA9] =	sst s3  }
0xc: {  	[smem:$0x3FAA] =	sst s4  }
0xd: {  	[smem:$0x3FAB] =	sst s5  }
0xe: {  	[smem:$0x3FAC] =	sst s6  }
0xf: {  	[smem:$0x3FAD] =	sst s7  }
0x10: {  	[smem:$0x3FAE] =	sst s8  }
0x11: {  	[smem:$0x3FAF] =	sst s9;
	s0 =	simm.s32 @!p0 $0x0  }
0x12: {  	s1 =	sld [smem:$0x3F95];
	s0 =	simm.s32 @p0 $0x1  }
0x13: {  	[smem:$0x3FB0] =	sst s0;
	s0 =	simm.s32 @!p1 $0x0  }
0x14: {  	s2 =	sld [smem:$0x3F94];
	s0 =	simm.s32 @p1 $0x1  }
0x15: {  	[smem:$0x3FB1] =	sst s0;
	s0 =	simm.s32 @!p2 $0x0  }
0x16: {  	s3 =	sld [smem:$0x3FDB];
	s0 =	simm.s32 @p2 $0x1  }
0x17: {  	s4 =	simm.s32 $0x1BF5;
	[smem:$0x3FB3] =	sst s0  }
0x18: {  	s0 =	sld [smem:$0x3F96];
	_ =	swait.ge [sflag:s4], $0x0  }
0x19: {  	s7 =	sld [smem:$0x3F97]  }
0x1a: {  	s8 =	sadd.s32 $0xFFFFE003, lr  }
0x1b: {  	s9 =	sadd.s32 $0xFFFFFEF7, lr;
	s5 =	simm.s32 $0xFFFFFFFF;
	p2 =	slt.u32 s8, $0xFFFFF086  }
0x1c: {  	p1 =	slt.u32 s9, $0xF7A;
	s5 =	simm.s32 @!p2 $0x0  }
0x1d: {  	s5 =	simm.s32 @p1 $0x1;
	p0 =	seq.s32 s7, s2  }
0x1e: {  	s7 =	smul.u32 @!p0 $0xF7A, s2;
	p2 =	seq.s32 @!p0 s5, $0x0  }
0x1f: {  	s9 =	smul.u32 $0xF7A, s1;
	s8 =	simm.s32 @!p0 $0x1BF5;
	p2 =	por !p2, p0  }
0x20: {  	[sflag:s8] =	ssyncset.s32 @!p0 $0xFFFFF086;
	s6 =	sadd.s32 @!p0 s3, s7;
	s7 =	simm.s32 @!p0 $0x108  }
0x21: {  	s3 =	sadd.s32 s3, s9;
	s6 =	sadd.s32 @!p0 $0x88, s6;
	s7 =	simm.s32 @p2 $0x1082  }
0x22: {  	[simem:s7], [sflag:s8] =	dma.local @!p0 [hbm:s6], $0xF7A  }
0x23: {  	s9 =	sor.u32 $0xD0000000, s2;
	s6 =	simm.s32 $0x108;
	_ =	swait.ge @!p0 [sflag:s8], $0x0  }
0x24: {  	s3 =	sadd.s32 $0x88, s3;
	s6 =	simm.s32 @!p1 $0x1082;
	[sflag:s4] =	ssyncset.s32 $0xFFFFF086  }
0x25: {  	[simem:s6], [sflag:s4] =	dma.local [hbm:s3], $0xF7A  }
0x26: {  	[smem:$0x3F97] =	sst s1;
	(tag) =	ssettag s2;
	_ =	strace s9  }
0x27: {  	s1 =	sld [smem:$0x3FA7]  }
0x28: {  	s2 =	sld [smem:$0x3FA8]  }
0x29: {  	s4 =	sld [smem:$0x3FAA]  }
0x2a: {  	p0 =	seq.s32 s5, $0x0;
	s5 =	sld [smem:$0x3FAB]  }
0x2b: {  	s6 =	sld [smem:$0x3FAC]  }
0x2c: {  	s7 =	sld [smem:$0x3FAD]  }
0x2d: {  	s3 =	simm.s32 $0x108;
	s8 =	sld [smem:$0x3FAE]  }
0x2e: {  	s3 =	simm.s32 @!p0 $0x1082;
	s9 =	sld [smem:$0x3FAF]  }
0x2f: {  	lr =	sadd.s32 s0, s3;
	s0 =	sld [smem:$0x3FA6]  }
0x30: {  	s3 =	sld [smem:$0x3FA9]  }
0x31: {  	[smem:$0x3FB2] =	sst s10  }
0x32: {  	s10 =	sld [smem:$0x3FB0];
	_ =	sdelay $0x3  }
0x33: {  	p0 =	seq.s32 s10, $0x1;
	s10 =	sld [smem:$0x3FB2];
	_ =	sdelay $0x3  }
0x34: {  	[smem:$0x3FB2] =	sst s10  }
0x35: {  	s10 =	sld [smem:$0x3FB1];
	_ =	sdelay $0x3  }
0x36: {  	p1 =	seq.s32 s10, $0x1;
	s10 =	sld [smem:$0x3FB2];
	_ =	sdelay $0x3  }
0x37: {  	[smem:$0x3FB2] =	sst s10  }
0x38: {  	s10 =	sld [smem:$0x3FB3]  }
0x39: {  	_ = 	snop;
	(pc) =	sbr.ind lr, $3  }
0x3a: {  	_ = 	snop  }
0x3b: {  	_ = 	snop  }
0x3c: {  	p2 =	seq.s32 s10, $0x1;
	s10 =	sld [smem:$0x3FB2]  }
0x3d: {  	_ =	shalt  }
0x3e: {  	_ =	shalt  }
0x3f: {  	_ =	shalt  }
0x40: {  	_ =	shalt  }
0x41: {  	_ =	shalt  }
0x42: {  	_ =	shalt  }
0x43: {  	_ =	shalt  }
0x44: {  	_ =	shalt  }
0x45: {  	_ =	shalt  }
0x46: {  	_ =	shalt  }
0x47: {  	_ =	shalt  }
0x48: {  	_ =	shalt  }
0x49: {  	_ =	shalt  }
0x4a: {  	_ =	shalt  }
0x4b: {  	_ =	shalt  }
0x4c: {  	_ =	shalt  }
0x4d: {  	_ =	shalt  }
0x4e: {  	_ =	shalt  }
0x4f: {  	_ =	shalt  }
0x50: {  	_ =	shalt  }
0x51: {  	_ =	shalt  }
0x52: {  	_ =	shalt  }
0x53: {  	_ =	shalt  }
0x54: {  	_ =	shalt  }
0x55: {  	_ =	shalt  }
0x56: {  	_ =	shalt  }
0x57: {  	_ =	shalt  }
0x58: {  	_ =	shalt  }
0x59: {  	_ =	shalt  }
0x5a: {  	_ =	shalt  }
0x5b: {  	_ =	shalt  }
0x5c: {  	_ =	shalt  }
0x5d: {  	_ =	shalt  }
0x5e: {  	_ =	shalt  }
0x5f: {  	_ =	shalt  }
0x60: {  	_ =	shalt  }
0x61: {  	_ =	shalt  }
0x62: {  	_ =	shalt  }
0x63: {  	_ =	shalt  }
0x64: {  	_ =	shalt  }
0x65: {  	_ =	shalt  }
0x66: {  	_ =	shalt  }
0x67: {  	_ =	shalt  }
0x68: {  	_ =	shalt  }
0x69: {  	_ =	shalt  }
0x6a: {  	_ =	shalt  }
0x6b: {  	_ =	shalt  }
0x6c: {  	_ =	shalt  }
0x6d: {  	_ =	shalt  }
0x6e: {  	_ =	shalt  }
0x6f: {  	_ =	shalt  }
0x70: {  	_ =	shalt  }
0x71: {  	_ =	shalt  }
0x72: {  	_ =	shalt  }
0x73: {  	_ =	shalt  }
0x74: {  	_ =	shalt  }
0x75: {  	_ =	shalt  }
0x76: {  	_ =	shalt  }
0x77: {  	_ =	shalt  }
0x78: {  	_ =	shalt  }
0x79: {  	_ =	shalt  }
0x7a: {  	_ =	shalt  }
0x7b: {  	_ =	shalt  }
0x7c: {  	_ =	shalt  }
0x7d: {  	_ =	shalt  }
0x7e: {  	_ =	shalt  }
0x7f: {  	_ =	shalt  }
0x80: {  	_ =	shalt  }
0x81: {  	_ =	shalt  }
0x82: {  	_ =	shalt  }
0x83: {  	_ =	shalt  }
0x84: {  	_ =	shalt  }
0x85: {  	_ =	shalt  }
0x86: {  	_ =	shalt  }
0x87: {  	_ =	shalt  }
.Lfunc_end0:
.L_simem_size_0:
called_computation.1_lowered:
.L_overlay_start_0:
0x88: {  	s2 =	sld [smem:$0x3FD9]  }
0x89: {  	s3 =	sld [smem:$0x3FFE];
	_ =	sdelay $0x1  }
0x8a: {  	s1 =	srdreg.scid  }
0x8b: {  	s0 =	sand.u32 $0x1, s1  }
0x8c: {  	s17 =	sshll.u32 s0, $0xA;
	s2 =	sadd.s32 s3, s2  }
0x8d: {  	s2 =	sadd.s32 s2, s17  }
0x8e: {  	[smem:$0x3FBE] =	sst s2  }
0x8f: {  	_ = 	snop  }
0x90: {  	s2 =	sld [smem:$0x3FD0];
	(tm) =	ssettm $0x1  }
0x91: {  	s18 =	sld [smem:$0x3FFB];
	_ =	sdelay $0x3  }
0x92: {  	_ =	strace s18  }
0x93: {  	s3 =	sld [smem:$0x3FFC];
	_ =	sdelay $0x3  }
0x94: {  	_ =	strace s3  }
0x95: {  	s3 =	sld [smem:$0x3FFD];
	_ =	sdelay $0x3  }
0x96: {  	_ =	strace s3  }
0x97: {  	_ =	strace $0x8FFFFFFF  }
0x98: {  	s19 =	sld [smem:$0x3FDB];
	_ =	sdelay $0x1  }
0x99: {  	s4 =	simm.s32 $_scs_section_size  }
0x9a: {  	s5 =	simm.s32 $_size__tile_overlayer_lowered;
	s6 =	simm.s32 $_tile_overlayer_lowered  }
0x9b: {  	s22 =	simm.s32 $0x1BFF;
	s21 =	sshll.u32 s6, $0x1;
	s3 =	sadd.s32 s4, s19  }
0x9c: {  	s7 =	simm.s32 $0x0;
	s20 =	sshll.u32 s5, $0x1;
	s5 =	sadd.s32 s21, s3  }
0x9d: {  	[timem:s7], [sflag:s22] =	dma.local [hbm:s5], s20  }
0x9e: {  	_ =	swait.ge [sflag:s22], s20  }
0x9f: {  	s4 =	ssub.s32 $0x0, s20;
	[sflag:s22] =	ssyncset.done $0x0  }
0xa0: {  	[sflag:s22] =	ssyncadd.s32 s4;
	_ =	sdelay $0x1  }
0xa1: {  	s23 =	simm.s32 $0x1B8B  }
0xa2: {  	_ =	swait.ge [sflag:s23], $0x1  }
0xa3: {  	[sflag:s23] =	ssyncset.done $0x0  }
0xa4: {  	s25 =	simm.s32 $0x1B8E;
	s24 =	sld [smem:$0x3FFE];
	[sflag:s23] =	ssyncadd.s32 $0xFFFFFFFF  }
0xa5: {  	s26 =	simm.s32 $execute0_lowered;
	[smem:$0x3FD2] =	sst s25  }
0xa6: {  	s5 =	sshll.u32 s26, $0x1;
	_ =	strace $0x80000049;
	[dreg:$0x1] =	wrdreg $0xFFFFFFFF  }
0xa7: {  	s28 =	simm.s32 $_size_execute0_lowered;
	s3 =	sadd.s32 s3, s5;
	[dreg:$0x0] =	wrdreg $0x0  }
0xa8: {  	s5 =	sshll.u32 s28, $0x1;
	[dreg:$0x2] =	wrdreg s3  }
0xa9: {  	[dreg:$0x3] =	wrdreg s5  }
0xaa: {  	[dreg:$0x4] =	wrdreg $0xC0  }
0xab: {  	_ =	task [dreg:s7], $0x5FFFF  }
0xac: {  	[dreg:$0x1] =	wrdreg $0xFFFFFFFF  }
0xad: {  	[dreg:$0x0] =	wrdreg $0x60  }
0xae: {  	[dreg:$0x2] =	wrdreg s2  }
0xaf: {  	[dreg:$0x3] =	wrdreg s24  }
0xb0: {  	[dreg:$0x4] =	wrdreg $0x0  }
0xb1: {  	[dreg:$0x5] =	wrdreg $0x9  }
0xb2: {  	_ =	task.clear_ibuf [dreg:s7], $0x6FFFF;
	_ =	strace $0x90000049  }
0xb3: {  	s29 =	simm.s32 $0x9;
	_ =	strace $0x8000004B  }
0xb4: {  	_ =	swait.ge [sflag:s29], $0x1  }
0xb5: {  	[sflag:s29] =	ssyncadd.s32 $0xFFFFFFFF  }
0xb6: {  	_ =	strace $0x9000004B  }
0xb7: {  	_ =	sfence  }
0xb8: {  	s30 =	sld [smem:$0x0];
	_ =	sdelay $0x2  }
0xb9: {  	s31 =	sshll.u32 s1, $0xD;
	s1 =	sshrl.u32 s1, $0x2  }
0xba: {  	s3 =	sand.u32 $0x4000, s31;
	s1 =	sadd.s32 s1, s30  }
0xbb: {  	s0 =	sor.u32 s3, s0;
	s1 =	sshll.u32 s1, $0x11  }
0xbc: {  	s0 =	sor.u32 s1, s0  }
0xbd: {  	s0 =	sadd.s32 $0x8F2B, s0  }
0xbe: {  	[sflag:s0] =	ssyncadd.remote.s32 $0x1  }
0xbf: {  	_ =	sfence.sel $0xFFFF  }
0xc0: {  	[dreg:$0x0] =	wrdreg $0xFFFFFFFF;
	(pc) =	sbr.abs _section_cstart, $3  }
0xc1: {  	[dreg:$0x1] =	wrdreg $0xFFFFFFFF  }
0xc2: {  	_ =	task.clear_ibuf [dreg:s7], $0x2FFFF;
	_ =	strace $0x9FFFFFFF  }
0xc3: {  	(tm) =	ssettm $0x7FFFFFFF  }
tec
execute0_lowered:
.L_overlay_start_1:
0x0: {  	(tag) =	ssettag $0x1  }
0x1: {  	s2 =	rddreg [dreg:$0x0]  }
0x2: {  	s0 =	srdreg.scid;
	s4 =	rddreg [dreg:$0x1]  }
0x3: {  	s9 =	stileid.u32;
	s3 =	rddreg [dreg:$0x2]  }
0x4: {  	s7 =	simm.s32 $0x0;
	s12 =	simm.s32 $0x15220;
	s15 =	simm.s32 $0x1  }
0x5: {  	s16 =	simm.s32 $0x2;
	s17 =	simm.s32 $0x3;
	s18 =	simm.s32 $0x50  }
0x6: {  	s19 =	simm.s32 $0xEE20;
	s21 =	simm.s32 $0x10220;
	s28 =	simm.s32 $0x13E20  }
0x7: {  	s29 =	simm.s32 $0x4;
	s30 =	simm.s32 $0x5;
	s31 =	simm.s32 $0x6  }
0x8: {  	s13 =	simm.s32 $0x9;
	s20 =	simm.s32 $0xA;
	s5 =	smul.u32 $0x9C4, s9  }
0x9: {  	s0 =	sand.u32 $0x1, s0;
	s6 =	smul.u32 $0x1400, s9;
	[smem:$0x7FF] =	sst s7  }
0xa: {  	s23 =	smul.u32 $0x28000, s9;
	s24 =	sadd.s32 $0x1FE00, s4;
	s1 =	sshll.u32 s0, $0x4  }
0xb: {  	s22 =	smul.u32 $0x14000, s0;
	_ =	strace $0x8000004A;
	s0 =	ssub.s32 $0x2, s0  }
0xc: {  	[dreg:$0x4] =	wrdreg s24;
	s1 =	sor.u32 s9, s1;
	s8 =	sadd.s32 s5, s4  }
0xd: {  	s25 =	sshrl.u32 s0, $0x1;
	s26 =	sshrl.u32 s23, $0x2;
	s23 =	simm.s32 $0x11620  }
0xe: {  	s1 =	smul.u32 $0x9C4, s1;
	s6 =	sadd.s32 s6, s22;
	s0 =	ssub.s32 s0, s25  }
0xf: {  	s7 =	sadd.s32 $0x2400, s8;
	s8 =	sshll.u32 s9, $0x6;
	s25 =	simm.s32 $0x12A20  }
0x10: {  	s22 =	simm.s32 $0x0;
	s9 =	sor.u32 $0x1C03, s8;
	s11 =	smax.u32 s0, $0x1  }
0x11: {  	s0 =	simm.s32 $0x8;
	s1 =	sadd.s32 s1, s4;
	s4 =	sadd.s32 s6, s4  }
0x12: {  	s6 =	sadd.s32 $0xC200, s1;
	s1 =	sadd.s32 s26, s3;
	s10 =	sadd.s32 $0x21800, s4  }
0x13: {  	s26 =	simm.s32 $0xB;
	s14 =	sshrl.u32 s1, $0x3;
	s1 =	simm.s32 $0x7  }
.LBB2_1:
0x14: {  	s4 =	simm.s32 $0x0  }
0x15: {  	[tilespmem:s12], [sflag:$0x1] =	stream.linear.gather [hbm4b:s6+s4], $0x4E20, $0x38;
	[tilespmem:$0x1A040] =	vst v63  }
0x16: {  	s5 =	simm.s32 $0xA000  }
0x17: {  	[tilespmem:s5], [sflag:$0x2] =	stream.linear.gather [hbm4b:s7+s4], $0x4E20, $0x38;
	[tilespmem:$0x1A040] =	vst v63  }
0x18: {  	s5 =	rddreg [dreg:$0x4]  }
0x19: {  	[spmem:s14], [sflag:s9] =	dma.local [hbm:s5], $0x1400  }
0x1a: {  	_ =	swait.ge [sflag:s15], $0x4E20  }
0x1b: {  	[sflag:s15] =	ssyncset.done $0x0  }
0x1c: {  	[sflag:s15] =	ssyncadd.s32 $0xFFFFB1E0  }
0x1d: {  	_ =	swait.ge [sflag:s16], $0x4E20  }
0x1e: {  	[sflag:s16] =	ssyncset.done $0x0  }
0x1f: {  	[sflag:s16] =	ssyncadd.s32 $0xFFFFB1E0  }
0x20: {  	_ =	swait.ge [sflag:s17], $0x1400  }
0x21: {  	[sflag:s17] =	ssyncset.done $0x0  }
0x22: {  	[sflag:s17] =	ssyncadd.s32 $0xFFFFEC00  }
0x23: {  	[bflag:$0x0] =	sbarrier.arrive $0xFFFF  }
0x24: {  	[tilespmem:s19], [sflag:$0x1] =	stream.indirect.gather [hbm4b:s2+s18], $0x40, s12, s18, $0xb8;
	[tilespmem:$0x1A040] =	vst v63  }
0x25: {  	s24 =	simm.s32 $0x15270  }
0x26: {  	[tilespmem:s21], [sflag:$0x2] =	stream.indirect.gather [hbm4b:s2+s18], $0x40, s24, s18, $0xb8;
	[tilespmem:$0x1A040] =	vst v63  }
0x27: {  	s5 =	simm.s32 $0x152C0  }
0x28: {  	[tilespmem:s23], [sflag:$0x3] =	stream.indirect.gather [hbm4b:s2+s18], $0x40, s5, s18, $0xb8;
	[tilespmem:$0x1A040] =	vst v63  }
0x29: {  	s24 =	simm.s32 $0x15310  }
0x2a: {  	[tilespmem:s25], [sflag:$0x4] =	stream.indirect.gather [hbm4b:s2+s18], $0x40, s24, s18, $0xb8;
	[tilespmem:$0x1A040] =	vst v63  }
0x2b: {  	s5 =	simm.s32 $0x15360  }
0x2c: {  	[tilespmem:s28], [sflag:$0x5] =	stream.indirect.gather [hbm4b:s2+s18], $0x40, s5, s18, $0xb8;
	[tilespmem:$0x1A040] =	vst v63  }
0x2d: {  	_ =	swait.ge [sflag:s15], $0x1400  }
0x2e: {  	[sflag:s15] =	ssyncset.done $0x0  }
0x2f: {  	s24 =	simm.s32 $0xA000;
	[sflag:s15] =	ssyncadd.s32 $0xFFFFEC00  }
0x30: {  	[spmem:s3] =	stream.indirect.scatter.add.f32 [tilespmem:s19], [sflag:$0x6], $0x40, s24, s18, $0xb8;
	[tilespmem:$0x1A040] =	vst v63  }
0x31: {  	_ =	swait.ge [sflag:s16], $0x1400  }
0x32: {  	[sflag:s16] =	ssyncset.done $0x0  }
0x33: {  	s5 =	simm.s32 $0xA050;
	[sflag:s16] =	ssyncadd.s32 $0xFFFFEC00  }
0x34: {  	[spmem:s3] =	stream.indirect.scatter.add.f32 [tilespmem:s21], [sflag:$0x7], $0x40, s5, s18, $0xb8;
	[tilespmem:$0x1A040] =	vst v63  }
0x35: {  	_ =	swait.ge [sflag:s17], $0x1400  }
0x36: {  	[sflag:s17] =	ssyncset.done $0x0  }
0x37: {  	s24 =	simm.s32 $0xA0A0;
	[sflag:s17] =	ssyncadd.s32 $0xFFFFEC00  }
0x38: {  	[spmem:s3] =	stream.indirect.scatter.add.f32 [tilespmem:s23], [sflag:$0x8], $0x40, s24, s18, $0xb8;
	[tilespmem:$0x1A040] =	vst v63  }
0x39: {  	_ =	swait.ge [sflag:s29], $0x1400  }
0x3a: {  	[sflag:s29] =	ssyncset.done $0x0  }
0x3b: {  	s5 =	simm.s32 $0xA0F0;
	[sflag:s29] =	ssyncadd.s32 $0xFFFFEC00  }
0x3c: {  	[spmem:s3] =	stream.indirect.scatter.add.f32 [tilespmem:s25], [sflag:$0x9], $0x40, s5, s18, $0xb8;
	[tilespmem:$0x1A040] =	vst v63  }
0x3d: {  	_ =	swait.ge [sflag:s30], $0x1400  }
0x3e: {  	[sflag:s30] =	ssyncset.done $0x0  }
0x3f: {  	s24 =	simm.s32 $0xA140;
	[sflag:s30] =	ssyncadd.s32 $0xFFFFEC00  }
0x40: {  	[spmem:s3] =	stream.indirect.scatter.add.f32 [tilespmem:s28], [sflag:$0xA], $0x40, s24, s18, $0xb8;
	[tilespmem:$0x1A040] =	vst v63  }
0x41: {  	_ =	swait.ge [sflag:s31], $0x1400  }
0x42: {  	[sflag:s31] =	ssyncset.done $0x0  }
0x43: {  	s5 =	simm.s32 $0x153B0;
	[sflag:s31] =	ssyncadd.s32 $0xFFFFEC00  }
0x44: {  	[tilespmem:s19], [sflag:$0x1] =	stream.indirect.gather [hbm4b:s2+s18], $0x40, s5, s18, $0xb8;
	[tilespmem:$0x1A040] =	vst v63  }
0x45: {  	_ =	swait.ge [sflag:s1], $0x1400  }
0x46: {  	[sflag:s1] =	ssyncset.done $0x0  }
0x47: {  	s24 =	simm.s32 $0x15400;
	[sflag:s1] =	ssyncadd.s32 $0xFFFFEC00  }
0x48: {  	[tilespmem:s21], [sflag:$0x2] =	stream.indirect.gather [hbm4b:s2+s18], $0x40, s24, s18, $0xb8;
	[tilespmem:$0x1A040] =	vst v63  }
0x49: {  	_ =	swait.ge [sflag:s0], $0x1400  }
0x4a: {  	[sflag:s0] =	ssyncset.done $0x0  }
0x4b: {  	s5 =	simm.s32 $0x15450;
	[sflag:s0] =	ssyncadd.s32 $0xFFFFEC00  }
0x4c: {  	[tilespmem:s23], [sflag:$0x3] =	stream.indirect.gather [hbm4b:s2+s18], $0x40, s5, s18, $0xb8;
	[tilespmem:$0x1A040] =	vst v63  }
0x4d: {  	_ =	swait.ge [sflag:s13], $0x1400  }
0x4e: {  	[sflag:s13] =	ssyncset.done $0x0  }
0x4f: {  	s24 =	simm.s32 $0x154A0;
	[sflag:s13] =	ssyncadd.s32 $0xFFFFEC00  }
0x50: {  	[tilespmem:s25], [sflag:$0x4] =	stream.indirect.gather [hbm4b:s2+s18], $0x40, s24, s18, $0xb8;
	[tilespmem:$0x1A040] =	vst v63  }
0x51: {  	_ =	swait.ge [sflag:s20], $0x1400  }
0x52: {  	[sflag:s20] =	ssyncset.done $0x0  }
0x53: {  	s4 =	simm.s32 $0x154F0;
	s24 =	simm.s32 $0x640;
	[sflag:s20] =	ssyncadd.s32 $0xFFFFEC00  }
.LBB2_2:
0x54: {  	[tilespmem:s28], [sflag:$0x5] =	stream.indirect.gather [hbm4b:s2+s18], $0x40, s4, s18, $0xb8;
	[tilespmem:$0x1A040] =	vst v63  }
0x55: {  	s4 =	smov.u32 s24  }
0x56: {  	p0 =	sne.s32 s24, $0x12C00;
	s24 =	sadd.s32 $0x640, s24;
	_ =	swait.ge [sflag:s15], $0x1400  }
0x57: {  	s4 =	sshra.s32 s4, $0x2;
	[sflag:s15] =	ssyncset.done $0x0  }
0x58: {  	s5 =	sadd.s32 $0xA000, s4;
	[sflag:s15] =	ssyncadd.s32 $0xFFFFEC00  }
0x59: {  	[spmem:s3] =	stream.indirect.scatter.add.f32 [tilespmem:s19], [sflag:$0x6], $0x40, s5, s18, $0xb8;
	[tilespmem:$0x1A040] =	vst v63  }
0x5a: {  	_ =	swait.ge [sflag:s16], $0x1400  }
0x5b: {  	[sflag:s16] =	ssyncset.done $0x0  }
0x5c: {  	s5 =	sadd.s32 $0xA050, s4;
	[sflag:s16] =	ssyncadd.s32 $0xFFFFEC00  }
0x5d: {  	[spmem:s3] =	stream.indirect.scatter.add.f32 [tilespmem:s21], [sflag:$0x7], $0x40, s5, s18, $0xb8;
	[tilespmem:$0x1A040] =	vst v63  }
0x5e: {  	_ =	swait.ge [sflag:s17], $0x1400  }
0x5f: {  	[sflag:s17] =	ssyncset.done $0x0  }
0x60: {  	s5 =	sadd.s32 $0xA0A0, s4;
	[sflag:s17] =	ssyncadd.s32 $0xFFFFEC00  }
0x61: {  	[spmem:s3] =	stream.indirect.scatter.add.f32 [tilespmem:s23], [sflag:$0x8], $0x40, s5, s18, $0xb8;
	[tilespmem:$0x1A040] =	vst v63  }
0x62: {  	_ =	swait.ge [sflag:s29], $0x1400  }
0x63: {  	[sflag:s29] =	ssyncset.done $0x0  }
0x64: {  	s5 =	sadd.s32 $0xA0F0, s4;
	[sflag:s29] =	ssyncadd.s32 $0xFFFFEC00  }
0x65: {  	[spmem:s3] =	stream.indirect.scatter.add.f32 [tilespmem:s25], [sflag:$0x9], $0x40, s5, s18, $0xb8;
	[tilespmem:$0x1A040] =	vst v63  }
0x66: {  	_ =	swait.ge [sflag:s30], $0x1400  }
0x67: {  	[sflag:s30] =	ssyncset.done $0x0  }
0x68: {  	s5 =	sadd.s32 $0xA140, s4;
	[sflag:s30] =	ssyncadd.s32 $0xFFFFEC00  }
0x69: {  	[spmem:s3] =	stream.indirect.scatter.add.f32 [tilespmem:s28], [sflag:$0xA], $0x40, s5, s18, $0xb8;
	[tilespmem:$0x1A040] =	vst v63  }
0x6a: {  	_ =	swait.ge [sflag:s31], $0x1400  }
0x6b: {  	[sflag:s31] =	ssyncset.done $0x0  }
0x6c: {  	s5 =	sadd.s32 $0x153B0, s4;
	[sflag:s31] =	ssyncadd.s32 $0xFFFFEC00  }
0x6d: {  	[tilespmem:s19], [sflag:$0x1] =	stream.indirect.gather [hbm4b:s2+s18], $0x40, s5, s18, $0xb8;
	[tilespmem:$0x1A040] =	vst v63  }
0x6e: {  	_ =	swait.ge [sflag:s1], $0x1400  }
0x6f: {  	[sflag:s1] =	ssyncset.done $0x0  }
0x70: {  	s5 =	sadd.s32 $0x15400, s4;
	[sflag:s1] =	ssyncadd.s32 $0xFFFFEC00  }
0x71: {  	[tilespmem:s21], [sflag:$0x2] =	stream.indirect.gather [hbm4b:s2+s18], $0x40, s5, s18, $0xb8;
	[tilespmem:$0x1A040] =	vst v63  }
0x72: {  	_ =	swait.ge [sflag:s0], $0x1400  }
0x73: {  	[sflag:s0] =	ssyncset.done $0x0  }
0x74: {  	s5 =	sadd.s32 $0x15450, s4;
	[sflag:s0] =	ssyncadd.s32 $0xFFFFEC00  }
0x75: {  	[tilespmem:s23], [sflag:$0x3] =	stream.indirect.gather [hbm4b:s2+s18], $0x40, s5, s18, $0xb8;
	[tilespmem:$0x1A040] =	vst v63  }
0x76: {  	_ =	swait.ge [sflag:s13], $0x1400  }
0x77: {  	[sflag:s13] =	ssyncset.done $0x0  }
.Ltmp0:
0x78: {  	s5 =	sadd.s32 $0x154A0, s4;
	[sflag:s13] =	ssyncadd.s32 $0xFFFFEC00;
	(pc) =	sbr.rel @p0 .LBB2_2-.Ltmp0, $4  }
0x79: {  	[tilespmem:s25], [sflag:$0x4] =	stream.indirect.gather [hbm4b:s2+s18], $0x40, s5, s18, $0xb8;
	[tilespmem:$0x1A040] =	vst v63  }
0x7a: {  	_ =	swait.ge [sflag:s20], $0x1400  }
0x7b: {  	[sflag:s20] =	ssyncset.done $0x0  }
0x7c: {  	s4 =	sadd.s32 $0x154F0, s4;
	[sflag:s20] =	ssyncadd.s32 $0xFFFFEC00  }
0x7d: {  	[tilespmem:s28], [sflag:$0x5] =	stream.indirect.gather [hbm4b:s2+s18], $0x40, s4, s18, $0xb8;
	[tilespmem:$0x1A040] =	vst v63  }
0x7e: {  	_ =	swait.ge [sflag:s15], $0x1400  }
0x7f: {  	[sflag:s15] =	ssyncset.done $0x0  }
0x80: {  	s5 =	simm.s32 $0xEC90;
	[sflag:s15] =	ssyncadd.s32 $0xFFFFEC00  }
0x81: {  	[spmem:s3] =	stream.indirect.scatter.add.f32 [tilespmem:s19], [sflag:$0x6], $0x40, s5, s18, $0xb8;
	[tilespmem:$0x1A040] =	vst v63  }
0x82: {  	_ =	swait.ge [sflag:s16], $0x1400  }
0x83: {  	[sflag:s16] =	ssyncset.done $0x0  }
0x84: {  	s24 =	simm.s32 $0xECE0;
	[sflag:s16] =	ssyncadd.s32 $0xFFFFEC00  }
0x85: {  	[spmem:s3] =	stream.indirect.scatter.add.f32 [tilespmem:s21], [sflag:$0x7], $0x40, s24, s18, $0xb8;
	[tilespmem:$0x1A040] =	vst v63  }
0x86: {  	_ =	swait.ge [sflag:s17], $0x1400  }
0x87: {  	[sflag:s17] =	ssyncset.done $0x0  }
0x88: {  	s5 =	simm.s32 $0xED30;
	[sflag:s17] =	ssyncadd.s32 $0xFFFFEC00  }
0x89: {  	[spmem:s3] =	stream.indirect.scatter.add.f32 [tilespmem:s23], [sflag:$0x8], $0x40, s5, s18, $0xb8;
	[tilespmem:$0x1A040] =	vst v63  }
0x8a: {  	_ =	swait.ge [sflag:s29], $0x1400  }
0x8b: {  	[sflag:s29] =	ssyncset.done $0x0  }
0x8c: {  	s24 =	simm.s32 $0xED80;
	[sflag:s29] =	ssyncadd.s32 $0xFFFFEC00  }
0x8d: {  	[spmem:s3] =	stream.indirect.scatter.add.f32 [tilespmem:s25], [sflag:$0x9], $0x40, s24, s18, $0xb8;
	[tilespmem:$0x1A040] =	vst v63  }
0x8e: {  	_ =	swait.ge [sflag:s30], $0x1400  }
0x8f: {  	[sflag:s30] =	ssyncset.done $0x0  }
0x90: {  	s5 =	simm.s32 $0xEDD0;
	[sflag:s30] =	ssyncadd.s32 $0xFFFFEC00  }
0x91: {  	[spmem:s3] =	stream.indirect.scatter.add.f32 [tilespmem:s28], [sflag:$0xA], $0x40, s5, s18, $0xb8;
	[tilespmem:$0x1A040] =	vst v63  }
0x92: {  	_ =	swait.ge [sflag:s31], $0x1400  }
0x93: {  	[sflag:s31] =	ssyncset.done $0x0  }
0x94: {  	[sflag:s31] =	ssyncadd.s32 $0xFFFFEC00  }
0x95: {  	_ =	swait.ge [sflag:s1], $0x1400  }
0x96: {  	[sflag:s1] =	ssyncset.done $0x0  }
0x97: {  	[sflag:s1] =	ssyncadd.s32 $0xFFFFEC00  }
0x98: {  	_ =	swait.ge [sflag:s0], $0x1400  }
0x99: {  	[sflag:s0] =	ssyncset.done $0x0  }
0x9a: {  	[sflag:s0] =	ssyncadd.s32 $0xFFFFEC00  }
0x9b: {  	_ =	swait.ge [sflag:s13], $0x1400  }
0x9c: {  	[sflag:s13] =	ssyncset.done $0x0  }
0x9d: {  	[sflag:s13] =	ssyncadd.s32 $0xFFFFEC00  }
0x9e: {  	_ =	swait.ge [sflag:s20], $0x1400  }
0x9f: {  	s22 =	sadd.s32 $0x1, s22;
	[sflag:s20] =	ssyncset.done $0x0  }
0xa0: {  	p0 =	sne.s32 s22, s11;
	[sflag:s20] =	ssyncadd.s32 $0xFFFFEC00  }
.Ltmp1:
0xa1: {  	s24 =	sor.u32 $0x1C0B, s8;
	[bflag:$0x0] =	sbarrier.arrive $0xFFFF;
	(pc) =	sbr.rel @p0 .LBB2_1-.Ltmp1, $4  }
0xa2: {  	[hbm:s10], [sflag:s24] =	dma.local [spmem:s14], $0x1400  }
0xa3: {  	_ =	swait.ge [sflag:s26], $0x1400  }
0xa4: {  	[sflag:s26] =	ssyncset.done $0x0  }
0xa5: {  	[sflag:s26] =	ssyncadd.s32 $0xFFFFEC00  }
0xa6: {  	_ =	sfence.sel $0x180000  }
0xa7: {  	[bflag:$0x0] =	sbarrier.arrive $0xFFFF  }
0xa8: {  	_ =	strace $0x9000004A  }
0xa9: {  	s0 =	stileid.u32;
	[bflag:$0x2] =	sbarrier.arrive $0xFFFF  }
0xaa: {  	p0 =	sne.s32 s0, $0x0;
	s0 =	rddreg [dreg:$0x3]  }
0xab: {  	s0 =	sadd.s32 @!p0 $0x100000, s0  }
0xac: {  	[sflag:s0] =	ssyncadd.tile.s32 @!p0 $0x1;
	_ =	shalt  }
.Lfunc_end2:
_tile_overlayer_lowered:
.L_overlay_start_2:
0xad: {  	(tag) =	ssettag $0x2  }
0xae: {  	s0 =	rddreg [dreg:$0x0];
	s2 =	stileid.u32  }
0xaf: {  	s1 =	rddreg [dreg:$0x1];
	p0 =	sne.s32 s2, $0x0  }
0xb0: {  	s3 =	rddreg [dreg:$0x2];
	[bflag:$0x3] =	sbarrier.arrive $0xFFFF;
	s2 =	simm.s32 @!p0 $0x1C0B  }
0xb1: {  	[timem:s3], [sflag:s2] =	dma.local @!p0 [hbm:s0], s1  }
0xb2: {  	s0 =	simm.s32 @!p0 $0xB  }
0xb3: {  	_ =	swait.ge @!p0 [sflag:s0], s1  }
0xb4: {  	s1 =	ssub.s32 @!p0 $0x0, s1;
	[sflag:s0] =	ssyncset.done @!p0 $0x0  }
0xb5: {  	[sflag:s0] =	ssyncadd.s32 @!p0 s1  }
0xb6: {  	[bflag:$0x3] =	sbarrier.arrive $0xFFFF  }
0xb7: {  	_ =	shalt  }

</sc_bundles>
